<compile_context>
chip_gen: v7x
topology: tpu7x:2x2x1
jax: 0.10.2.dev20260603
libtpu: 0.0.44.dev20260713+nightly
codegen_flags: <defaults>
</compile_context>

<pallas_src>
import functools

import jax
import jax.numpy as jnp
from jax import lax
from jax.experimental import pallas as pl
from jax.experimental.pallas import tpu as pltpu
from jax.experimental.pallas import tpu_sc as plsc

VOCAB = 100000
EMBED = 64
TOTAL = 4096 * 50
NC, NS = 2, 16
NW = NC * NS
PER_W = TOTAL // NW
GROUP = 128
NG = PER_W // GROUP
K = 5
NB = NG // K


def _emb_kernel(idx_hbm, table_hbm, out_hbm, idx_v, rows_a, rows_b, sem_a,
                sem_b):
    wid = lax.axis_index("s") * NC + lax.axis_index("c")
    pltpu.sync_copy(idx_hbm.at[wid], idx_v)

    def fire(batch, rows, sem):
        for j in range(K):
            pltpu.async_copy(table_hbm.at[idx_v.at[batch * K + j]],
                             rows.at[j], sem)

    def drain(rows, sem):
        for j in range(K):
            pltpu.make_async_copy(table_hbm.at[idx_v.at[0]], rows.at[j],
                                  sem).wait()

    fire(0, rows_a, sem_a)

    def pair(t, carry):
        fire(2 * t + 1, rows_b, sem_b)
        drain(rows_a, sem_a)
        pltpu.sync_copy(rows_a, out_hbm.at[wid, pl.ds(2 * t * K, K)])

        @pl.when(t < NB // 2 - 1)
        def _():
            fire(2 * t + 2, rows_a, sem_a)

        drain(rows_b, sem_b)
        pltpu.sync_copy(rows_b, out_hbm.at[wid, pl.ds((2 * t + 1) * K, K)])
        return carry

    lax.fori_loop(0, NB // 2, pair, 0)


@jax.jit
def _emb(idx, table):
    f = pl.kernel(
        _emb_kernel,
        out_type=jax.ShapeDtypeStruct((NW, NG, GROUP, EMBED), jnp.float32),
        mesh=plsc.VectorSubcoreMesh(core_axis_name="c", subcore_axis_name="s"),
        scratch_types=[
            pltpu.VMEM((NG, GROUP), jnp.int32),
            pltpu.VMEM((K, GROUP, EMBED), jnp.float32),
            pltpu.VMEM((K, GROUP, EMBED), jnp.float32),
            pltpu.SemaphoreType.DMA,
            pltpu.SemaphoreType.DMA,
        ],
        compiler_params=pltpu.CompilerParams(use_tc_tiling_on_sc=False),
    )
    return f(idx, table)


def kernel(indices, weight):
    B, S = indices.shape
    idx = indices.astype(jnp.int32).reshape(NW, NG, GROUP)
    out = _emb(idx, weight)
    return out.reshape(B, S, EMBED)

# --- scband reference (transcript-rebuilt; emitter-appended) ---
"""Pipeline reference for scband-variable-embedding-592705487025 (READ-ONLY COPY).

The authoritative reference and input builder live on the scoring server;
editing this copy changes nothing except your own understanding.
"""

import jax, jax.numpy as jnp
import numpy as np

VOCAB = 100000
EMBED = 64

def setup_inputs(seed: int = 0) -> dict:
    key = jax.random.key(seed)
    k_idx, k_w = jax.random.split(key)
    indices = jax.random.randint(k_idx, (4096, 50), 0, VOCAB, dtype=jnp.int64)
    # nn.Embedding default init: N(0, 1)
    weight = jax.random.normal(k_w, (VOCAB, EMBED), dtype=jnp.float32)
    return {"indices": indices, "weight": weight}

def reference(indices, weight):
    # VariableEmbedding is a plain nn.Embedding lookup
    return jnp.take(weight, indices, axis=0)

if __name__ == "__main__":
    import jax
    _d = setup_inputs()
    print(jax.jit(kernel)(*tuple(_d.values())))

</pallas_src>

<mosaic_0001>
#map = affine_map<(d0, d1) -> (0, 0, 0)>
#map1 = affine_map<(d0, d1) -> (0, 0)>
#map2 = affine_map<(d0, d1) -> (0, 0, 0, 0)>
module attributes {stable_mosaic.version = 14 : i64} {
  func.func @_emb_kernel(%arg0: i32, %arg1: i32, %arg2: memref<32x50x128xi32, #tpu.memory_space<hbm>>, %arg3: memref<100000x64xf32, #tpu.memory_space<hbm>>, %arg4: memref<32x50x128x64xf32, #tpu.memory_space<hbm>>, %arg5: memref<50x128xi32, #tpu.memory_space<vmem>>, %arg6: memref<5x128x64xf32, #tpu.memory_space<vmem>>, %arg7: memref<5x128x64xf32, #tpu.memory_space<vmem>>, %arg8: memref<!tpu.dma_semaphore, #tpu.memory_space<semaphore_mem>>, %arg9: memref<!tpu.dma_semaphore, #tpu.memory_space<semaphore_mem>>) attributes {dimension_semantics = [#tpu.dimension_semantics<core_parallel>, #tpu.dimension_semantics<subcore_parallel>], iteration_bounds = array<i64: 2, 16>, scalar_prefetch = 0 : i64, scratch_operands = 5 : i64, tpu.core_type = #tpu.core_type<sc_vector_subcore>, window_params = [{transform_indices = #map}, {transform_indices = #map1}, {transform_indices = #map2}]} {
    %mul3A = arith.constant 2 : i32
    %mul3A_0 = arith.muli %arg1, %mul3A : i32
    %add3A = arith.addi %mul3A_0, %arg0 : i32
    "tpu.region"() ({
      %run_scoped3A = tpu.sem_alloc : memref<!tpu.dma_semaphore, #tpu.memory_space<semaphore_mem>>
      %dma_start3A_65 = arith.constant 0 : i32
      %dma_start3A_66 = arith.constant 0 : i32
      %dma_start3A_67 = tpu.memref_slice %arg2[%add3A, %dma_start3A_65, %dma_start3A_66] : memref<32x50x128xi32, #tpu.memory_space<hbm>> -> memref<1x50x128xi32, #tpu.memory_space<hbm>>
      %dma_start3A_68 = tpu.memref_squeeze %dma_start3A_67 : memref<1x50x128xi32, #tpu.memory_space<hbm>> -> memref<50x128xi32, #tpu.memory_space<hbm>>
      %dma_start3A_69 = arith.constant 0 : i32
      %dma_start3A_70 = arith.constant 0 : i32
      %dma_start3A_71 = tpu.memref_slice %arg2[%add3A, %dma_start3A_69, %dma_start3A_70] : memref<32x50x128xi32, #tpu.memory_space<hbm>> -> memref<1x50x128xi32, #tpu.memory_space<hbm>>
      %dma_start3A_72 = tpu.memref_squeeze %dma_start3A_71 : memref<1x50x128xi32, #tpu.memory_space<hbm>> -> memref<50x128xi32, #tpu.memory_space<hbm>>
      tpu.enqueue_dma source(%dma_start3A_72 : memref<50x128xi32, #tpu.memory_space<hbm>>) target(%arg5 : memref<50x128xi32, #tpu.memory_space<vmem>>) target_semaphore(%run_scoped3A : memref<!tpu.dma_semaphore, #tpu.memory_space<semaphore_mem>>)
      %dma_wait3A = arith.constant 0 : i32
      %dma_wait3A_73 = arith.constant 0 : i32
      %dma_wait3A_74 = tpu.memref_slice %arg2[%add3A, %dma_wait3A, %dma_wait3A_73] : memref<32x50x128xi32, #tpu.memory_space<hbm>> -> memref<1x50x128xi32, #tpu.memory_space<hbm>>
      %dma_wait3A_75 = tpu.memref_squeeze %dma_wait3A_74 : memref<1x50x128xi32, #tpu.memory_space<hbm>> -> memref<50x128xi32, #tpu.memory_space<hbm>>
      %dma_wait3A_76 = arith.constant 0 : i32
      %dma_wait3A_77 = arith.constant 0 : i32
      %dma_wait3A_78 = tpu.memref_slice %arg2[%add3A, %dma_wait3A_76, %dma_wait3A_77] : memref<32x50x128xi32, #tpu.memory_space<hbm>> -> memref<1x50x128xi32, #tpu.memory_space<hbm>>
      %dma_wait3A_79 = tpu.memref_squeeze %dma_wait3A_78 : memref<1x50x128xi32, #tpu.memory_space<hbm>> -> memref<50x128xi32, #tpu.memory_space<hbm>>
      tpu.wait_dma2 semaphore(%run_scoped3A : memref<!tpu.dma_semaphore, #tpu.memory_space<semaphore_mem>>) src(%dma_wait3A_79 : memref<50x128xi32, #tpu.memory_space<hbm>>) dst(%arg5 : memref<50x128xi32, #tpu.memory_space<vmem>>)
      tpu.yield
    }) : () -> ()
    %dma_start3A = arith.constant 0 : i32
    %dma_start3A_1 = arith.constant 0 : i32
    %dma_start3A_2 = arith.constant 0 : i32
    %dma_start3A_3 = arith.constant 0 : i32
    %dma_start3A_4 = tpu.memref_slice %arg6[%dma_start3A_1, %dma_start3A_2, %dma_start3A_3] : memref<5x128x64xf32, #tpu.memory_space<vmem>> -> memref<1x128x64xf32, #tpu.memory_space<vmem>>
    %dma_start3A_5 = tpu.memref_squeeze %dma_start3A_4 : memref<1x128x64xf32, #tpu.memory_space<vmem>> -> memref<128x64xf32, #tpu.memory_space<vmem>>
    %dma_start3A_6 = arith.constant 0 : i32
    %dma_start3A_7 = tpu.memref_slice %arg5[%dma_start3A, %dma_start3A_6] : memref<50x128xi32, #tpu.memory_space<vmem>> -> memref<1x128xi32, #tpu.memory_space<vmem>>
    %dma_start3A_8 = tpu.memref_squeeze %dma_start3A_7 : memref<1x128xi32, #tpu.memory_space<vmem>> -> memref<128xi32, #tpu.memory_space<vmem>>
    %dma_start3A_9 = arith.constant 0 : i32
    %dma_start3A_10 = arith.constant 0 : i32
    %dma_start3A_11 = tpu.memref_slice %arg3[%dma_start3A_9, %dma_start3A_10] : memref<100000x64xf32, #tpu.memory_space<hbm>> -> memref<100000x64xf32, #tpu.memory_space<hbm>>
    tpu.enqueue_indirect_dma source(%dma_start3A_11 : memref<100000x64xf32, #tpu.memory_space<hbm>>) target(%dma_start3A_5 : memref<128x64xf32, #tpu.memory_space<vmem>>) offsets(%dma_start3A_8 : memref<128xi32, #tpu.memory_space<vmem>>) semaphore(%arg8 : memref<!tpu.dma_semaphore, #tpu.memory_space<semaphore_mem>>)
    %dma_start3A_12 = arith.constant 1 : i32
    %dma_start3A_13 = arith.constant 1 : i32
    %dma_start3A_14 = arith.constant 0 : i32
    %dma_start3A_15 = arith.constant 0 : i32
    %dma_start3A_16 = tpu.memref_slice %arg6[%dma_start3A_13, %dma_start3A_14, %dma_start3A_15] : memref<5x128x64xf32, #tpu.memory_space<vmem>> -> memref<1x128x64xf32, #tpu.memory_space<vmem>>
    %dma_start3A_17 = tpu.memref_squeeze %dma_start3A_16 : memref<1x128x64xf32, #tpu.memory_space<vmem>> -> memref<128x64xf32, #tpu.memory_space<vmem>>
    %dma_start3A_18 = arith.constant 0 : i32
    %dma_start3A_19 = tpu.memref_slice %arg5[%dma_start3A_12, %dma_start3A_18] : memref<50x128xi32, #tpu.memory_space<vmem>> -> memref<1x128xi32, #tpu.memory_space<vmem>>
    %dma_start3A_20 = tpu.memref_squeeze %dma_start3A_19 : memref<1x128xi32, #tpu.memory_space<vmem>> -> memref<128xi32, #tpu.memory_space<vmem>>
    %dma_start3A_21 = arith.constant 0 : i32
    %dma_start3A_22 = arith.constant 0 : i32
    %dma_start3A_23 = tpu.memref_slice %arg3[%dma_start3A_21, %dma_start3A_22] : memref<100000x64xf32, #tpu.memory_space<hbm>> -> memref<100000x64xf32, #tpu.memory_space<hbm>>
    tpu.enqueue_indirect_dma source(%dma_start3A_23 : memref<100000x64xf32, #tpu.memory_space<hbm>>) target(%dma_start3A_17 : memref<128x64xf32, #tpu.memory_space<vmem>>) offsets(%dma_start3A_20 : memref<128xi32, #tpu.memory_space<vmem>>) semaphore(%arg8 : memref<!tpu.dma_semaphore, #tpu.memory_space<semaphore_mem>>)
    %dma_start3A_24 = arith.constant 2 : i32
    %dma_start3A_25 = arith.constant 2 : i32
    %dma_start3A_26 = arith.constant 0 : i32
    %dma_start3A_27 = arith.constant 0 : i32
    %dma_start3A_28 = tpu.memref_slice %arg6[%dma_start3A_25, %dma_start3A_26, %dma_start3A_27] : memref<5x128x64xf32, #tpu.memory_space<vmem>> -> memref<1x128x64xf32, #tpu.memory_space<vmem>>
    %dma_start3A_29 = tpu.memref_squeeze %dma_start3A_28 : memref<1x128x64xf32, #tpu.memory_space<vmem>> -> memref<128x64xf32, #tpu.memory_space<vmem>>
    %dma_start3A_30 = arith.constant 0 : i32
    %dma_start3A_31 = tpu.memref_slice %arg5[%dma_start3A_24, %dma_start3A_30] : memref<50x128xi32, #tpu.memory_space<vmem>> -> memref<1x128xi32, #tpu.memory_space<vmem>>
    %dma_start3A_32 = tpu.memref_squeeze %dma_start3A_31 : memref<1x128xi32, #tpu.memory_space<vmem>> -> memref<128xi32, #tpu.memory_space<vmem>>
    %dma_start3A_33 = arith.constant 0 : i32
    %dma_start3A_34 = arith.constant 0 : i32
    %dma_start3A_35 = tpu.memref_slice %arg3[%dma_start3A_33, %dma_start3A_34] : memref<100000x64xf32, #tpu.memory_space<hbm>> -> memref<100000x64xf32, #tpu.memory_space<hbm>>
    tpu.enqueue_indirect_dma source(%dma_start3A_35 : memref<100000x64xf32, #tpu.memory_space<hbm>>) target(%dma_start3A_29 : memref<128x64xf32, #tpu.memory_space<vmem>>) offsets(%dma_start3A_32 : memref<128xi32, #tpu.memory_space<vmem>>) semaphore(%arg8 : memref<!tpu.dma_semaphore, #tpu.memory_space<semaphore_mem>>)
    %dma_start3A_36 = arith.constant 3 : i32
    %dma_start3A_37 = arith.constant 3 : i32
    %dma_start3A_38 = arith.constant 0 : i32
    %dma_start3A_39 = arith.constant 0 : i32
    %dma_start3A_40 = tpu.memref_slice %arg6[%dma_start3A_37, %dma_start3A_38, %dma_start3A_39] : memref<5x128x64xf32, #tpu.memory_space<vmem>> -> memref<1x128x64xf32, #tpu.memory_space<vmem>>
    %dma_start3A_41 = tpu.memref_squeeze %dma_start3A_40 : memref<1x128x64xf32, #tpu.memory_space<vmem>> -> memref<128x64xf32, #tpu.memory_space<vmem>>
    %dma_start3A_42 = arith.constant 0 : i32
    %dma_start3A_43 = tpu.memref_slice %arg5[%dma_start3A_36, %dma_start3A_42] : memref<50x128xi32, #tpu.memory_space<vmem>> -> memref<1x128xi32, #tpu.memory_space<vmem>>
    %dma_start3A_44 = tpu.memref_squeeze %dma_start3A_43 : memref<1x128xi32, #tpu.memory_space<vmem>> -> memref<128xi32, #tpu.memory_space<vmem>>
    %dma_start3A_45 = arith.constant 0 : i32
    %dma_start3A_46 = arith.constant 0 : i32
    %dma_start3A_47 = tpu.memref_slice %arg3[%dma_start3A_45, %dma_start3A_46] : memref<100000x64xf32, #tpu.memory_space<hbm>> -> memref<100000x64xf32, #tpu.memory_space<hbm>>
    tpu.enqueue_indirect_dma source(%dma_start3A_47 : memref<100000x64xf32, #tpu.memory_space<hbm>>) target(%dma_start3A_41 : memref<128x64xf32, #tpu.memory_space<vmem>>) offsets(%dma_start3A_44 : memref<128xi32, #tpu.memory_space<vmem>>) semaphore(%arg8 : memref<!tpu.dma_semaphore, #tpu.memory_space<semaphore_mem>>)
    %dma_start3A_48 = arith.constant 4 : i32
    %dma_start3A_49 = arith.constant 4 : i32
    %dma_start3A_50 = arith.constant 0 : i32
    %dma_start3A_51 = arith.constant 0 : i32
    %dma_start3A_52 = tpu.memref_slice %arg6[%dma_start3A_49, %dma_start3A_50, %dma_start3A_51] : memref<5x128x64xf32, #tpu.memory_space<vmem>> -> memref<1x128x64xf32, #tpu.memory_space<vmem>>
    %dma_start3A_53 = tpu.memref_squeeze %dma_start3A_52 : memref<1x128x64xf32, #tpu.memory_space<vmem>> -> memref<128x64xf32, #tpu.memory_space<vmem>>
    %dma_start3A_54 = arith.constant 0 : i32
    %dma_start3A_55 = tpu.memref_slice %arg5[%dma_start3A_48, %dma_start3A_54] : memref<50x128xi32, #tpu.memory_space<vmem>> -> memref<1x128xi32, #tpu.memory_space<vmem>>
    %dma_start3A_56 = tpu.memref_squeeze %dma_start3A_55 : memref<1x128xi32, #tpu.memory_space<vmem>> -> memref<128xi32, #tpu.memory_space<vmem>>
    %dma_start3A_57 = arith.constant 0 : i32
    %dma_start3A_58 = arith.constant 0 : i32
    %dma_start3A_59 = tpu.memref_slice %arg3[%dma_start3A_57, %dma_start3A_58] : memref<100000x64xf32, #tpu.memory_space<hbm>> -> memref<100000x64xf32, #tpu.memory_space<hbm>>
    tpu.enqueue_indirect_dma source(%dma_start3A_59 : memref<100000x64xf32, #tpu.memory_space<hbm>>) target(%dma_start3A_53 : memref<128x64xf32, #tpu.memory_space<vmem>>) offsets(%dma_start3A_56 : memref<128xi32, #tpu.memory_space<vmem>>) semaphore(%arg8 : memref<!tpu.dma_semaphore, #tpu.memory_space<semaphore_mem>>)
    %scan3A = arith.constant 0 : i32
    %scan3A_60 = arith.constant 0 : i32
    %scan3A_61 = arith.constant 5 : i32
    %scan3A_62 = arith.addi %scan3A_60, %scan3A_61 : i32
    %scan3A_63 = arith.constant 1 : i32
    scf.for %scan3A_65 = %scan3A_60 to %scan3A_62 step %scan3A_63  : i32 {
      %mul3A_66 = arith.constant 2 : i32
      %mul3A_67 = arith.muli %mul3A_66, %scan3A_65 : i32
      %add3A_68 = arith.constant 1 : i32
      %add3A_69 = arith.addi %mul3A_67, %add3A_68 : i32
      %mul3A_70 = arith.constant 5 : i32
      %mul3A_71 = arith.muli %add3A_69, %mul3A_70 : i32
      %add3A_72 = arith.constant 0 : i32
      %add3A_73 = arith.addi %mul3A_71, %add3A_72 : i32
      %dma_start3A_74 = arith.constant 0 : i32
      %dma_start3A_75 = arith.constant 0 : i32
      %dma_start3A_76 = arith.constant 0 : i32
      %dma_start3A_77 = tpu.memref_slice %arg7[%dma_start3A_74, %dma_start3A_75, %dma_start3A_76] : memref<5x128x64xf32, #tpu.memory_space<vmem>> -> memref<1x128x64xf32, #tpu.memory_space<vmem>>
      %dma_start3A_78 = tpu.memref_squeeze %dma_start3A_77 : memref<1x128x64xf32, #tpu.memory_space<vmem>> -> memref<128x64xf32, #tpu.memory_space<vmem>>
      %dma_start3A_79 = arith.constant 0 : i32
      %dma_start3A_80 = tpu.memref_slice %arg5[%add3A_73, %dma_start3A_79] : memref<50x128xi32, #tpu.memory_space<vmem>> -> memref<1x128xi32, #tpu.memory_space<vmem>>
      %dma_start3A_81 = tpu.memref_squeeze %dma_start3A_80 : memref<1x128xi32, #tpu.memory_space<vmem>> -> memref<128xi32, #tpu.memory_space<vmem>>
      %dma_start3A_82 = arith.constant 0 : i32
      %dma_start3A_83 = arith.constant 0 : i32
      %dma_start3A_84 = tpu.memref_slice %arg3[%dma_start3A_82, %dma_start3A_83] : memref<100000x64xf32, #tpu.memory_space<hbm>> -> memref<100000x64xf32, #tpu.memory_space<hbm>>
      tpu.enqueue_indirect_dma source(%dma_start3A_84 : memref<100000x64xf32, #tpu.memory_space<hbm>>) target(%dma_start3A_78 : memref<128x64xf32, #tpu.memory_space<vmem>>) offsets(%dma_start3A_81 : memref<128xi32, #tpu.memory_space<vmem>>) semaphore(%arg9 : memref<!tpu.dma_semaphore, #tpu.memory_space<semaphore_mem>>)
      %mul3A_85 = arith.constant 5 : i32
      %mul3A_86 = arith.muli %add3A_69, %mul3A_85 : i32
      %add3A_87 = arith.constant 1 : i32
      %add3A_88 = arith.addi %mul3A_86, %add3A_87 : i32
      %dma_start3A_89 = arith.constant 1 : i32
      %dma_start3A_90 = arith.constant 0 : i32
      %dma_start3A_91 = arith.constant 0 : i32
      %dma_start3A_92 = tpu.memref_slice %arg7[%dma_start3A_89, %dma_start3A_90, %dma_start3A_91] : memref<5x128x64xf32, #tpu.memory_space<vmem>> -> memref<1x128x64xf32, #tpu.memory_space<vmem>>
      %dma_start3A_93 = tpu.memref_squeeze %dma_start3A_92 : memref<1x128x64xf32, #tpu.memory_space<vmem>> -> memref<128x64xf32, #tpu.memory_space<vmem>>
      %dma_start3A_94 = arith.constant 0 : i32
      %dma_start3A_95 = tpu.memref_slice %arg5[%add3A_88, %dma_start3A_94] : memref<50x128xi32, #tpu.memory_space<vmem>> -> memref<1x128xi32, #tpu.memory_space<vmem>>
      %dma_start3A_96 = tpu.memref_squeeze %dma_start3A_95 : memref<1x128xi32, #tpu.memory_space<vmem>> -> memref<128xi32, #tpu.memory_space<vmem>>
      %dma_start3A_97 = arith.constant 0 : i32
      %dma_start3A_98 = arith.constant 0 : i32
      %dma_start3A_99 = tpu.memref_slice %arg3[%dma_start3A_97, %dma_start3A_98] : memref<100000x64xf32, #tpu.memory_space<hbm>> -> memref<100000x64xf32, #tpu.memory_space<hbm>>
      tpu.enqueue_indirect_dma source(%dma_start3A_99 : memref<100000x64xf32, #tpu.memory_space<hbm>>) target(%dma_start3A_93 : memref<128x64xf32, #tpu.memory_space<vmem>>) offsets(%dma_start3A_96 : memref<128xi32, #tpu.memory_space<vmem>>) semaphore(%arg9 : memref<!tpu.dma_semaphore, #tpu.memory_space<semaphore_mem>>)
      %mul3A_100 = arith.constant 5 : i32
      %mul3A_101 = arith.muli %add3A_69, %mul3A_100 : i32
      %add3A_102 = arith.constant 2 : i32
      %add3A_103 = arith.addi %mul3A_101, %add3A_102 : i32
      %dma_start3A_104 = arith.constant 2 : i32
      %dma_start3A_105 = arith.constant 0 : i32
      %dma_start3A_106 = arith.constant 0 : i32
      %dma_start3A_107 = tpu.memref_slice %arg7[%dma_start3A_104, %dma_start3A_105, %dma_start3A_106] : memref<5x128x64xf32, #tpu.memory_space<vmem>> -> memref<1x128x64xf32, #tpu.memory_space<vmem>>
      %dma_start3A_108 = tpu.memref_squeeze %dma_start3A_107 : memref<1x128x64xf32, #tpu.memory_space<vmem>> -> memref<128x64xf32, #tpu.memory_space<vmem>>
      %dma_start3A_109 = arith.constant 0 : i32
      %dma_start3A_110 = tpu.memref_slice %arg5[%add3A_103, %dma_start3A_109] : memref<50x128xi32, #tpu.memory_space<vmem>> -> memref<1x128xi32, #tpu.memory_space<vmem>>
      %dma_start3A_111 = tpu.memref_squeeze %dma_start3A_110 : memref<1x128xi32, #tpu.memory_space<vmem>> -> memref<128xi32, #tpu.memory_space<vmem>>
      %dma_start3A_112 = arith.constant 0 : i32
      %dma_start3A_113 = arith.constant 0 : i32
      %dma_start3A_114 = tpu.memref_slice %arg3[%dma_start3A_112, %dma_start3A_113] : memref<100000x64xf32, #tpu.memory_space<hbm>> -> memref<100000x64xf32, #tpu.memory_space<hbm>>
      tpu.enqueue_indirect_dma source(%dma_start3A_114 : memref<100000x64xf32, #tpu.memory_space<hbm>>) target(%dma_start3A_108 : memref<128x64xf32, #tpu.memory_space<vmem>>) offsets(%dma_start3A_111 : memref<128xi32, #tpu.memory_space<vmem>>) semaphore(%arg9 : memref<!tpu.dma_semaphore, #tpu.memory_space<semaphore_mem>>)
      %mul3A_115 = arith.constant 5 : i32
      %mul3A_116 = arith.muli %add3A_69, %mul3A_115 : i32
      %add3A_117 = arith.constant 3 : i32
      %add3A_118 = arith.addi %mul3A_116, %add3A_117 : i32
      %dma_start3A_119 = arith.constant 3 : i32
      %dma_start3A_120 = arith.constant 0 : i32
      %dma_start3A_121 = arith.constant 0 : i32
      %dma_start3A_122 = tpu.memref_slice %arg7[%dma_start3A_119, %dma_start3A_120, %dma_start3A_121] : memref<5x128x64xf32, #tpu.memory_space<vmem>> -> memref<1x128x64xf32, #tpu.memory_space<vmem>>
      %dma_start3A_123 = tpu.memref_squeeze %dma_start3A_122 : memref<1x128x64xf32, #tpu.memory_space<vmem>> -> memref<128x64xf32, #tpu.memory_space<vmem>>
      %dma_start3A_124 = arith.constant 0 : i32
      %dma_start3A_125 = tpu.memref_slice %arg5[%add3A_118, %dma_start3A_124] : memref<50x128xi32, #tpu.memory_space<vmem>> -> memref<1x128xi32, #tpu.memory_space<vmem>>
      %dma_start3A_126 = tpu.memref_squeeze %dma_start3A_125 : memref<1x128xi32, #tpu.memory_space<vmem>> -> memref<128xi32, #tpu.memory_space<vmem>>
      %dma_start3A_127 = arith.constant 0 : i32
      %dma_start3A_128 = arith.constant 0 : i32
      %dma_start3A_129 = tpu.memref_slice %arg3[%dma_start3A_127, %dma_start3A_128] : memref<100000x64xf32, #tpu.memory_space<hbm>> -> memref<100000x64xf32, #tpu.memory_space<hbm>>
      tpu.enqueue_indirect_dma source(%dma_start3A_129 : memref<100000x64xf32, #tpu.memory_space<hbm>>) target(%dma_start3A_123 : memref<128x64xf32, #tpu.memory_space<vmem>>) offsets(%dma_start3A_126 : memref<128xi32, #tpu.memory_space<vmem>>) semaphore(%arg9 : memref<!tpu.dma_semaphore, #tpu.memory_space<semaphore_mem>>)
      %mul3A_130 = arith.constant 5 : i32
      %mul3A_131 = arith.muli %add3A_69, %mul3A_130 : i32
      %add3A_132 = arith.constant 4 : i32
      %add3A_133 = arith.addi %mul3A_131, %add3A_132 : i32
      %dma_start3A_134 = arith.constant 4 : i32
      %dma_start3A_135 = arith.constant 0 : i32
      %dma_start3A_136 = arith.constant 0 : i32
      %dma_start3A_137 = tpu.memref_slice %arg7[%dma_start3A_134, %dma_start3A_135, %dma_start3A_136] : memref<5x128x64xf32, #tpu.memory_space<vmem>> -> memref<1x128x64xf32, #tpu.memory_space<vmem>>
      %dma_start3A_138 = tpu.memref_squeeze %dma_start3A_137 : memref<1x128x64xf32, #tpu.memory_space<vmem>> -> memref<128x64xf32, #tpu.memory_space<vmem>>
      %dma_start3A_139 = arith.constant 0 : i32
      %dma_start3A_140 = tpu.memref_slice %arg5[%add3A_133, %dma_start3A_139] : memref<50x128xi32, #tpu.memory_space<vmem>> -> memref<1x128xi32, #tpu.memory_space<vmem>>
      %dma_start3A_141 = tpu.memref_squeeze %dma_start3A_140 : memref<1x128xi32, #tpu.memory_space<vmem>> -> memref<128xi32, #tpu.memory_space<vmem>>
      %dma_start3A_142 = arith.constant 0 : i32
      %dma_start3A_143 = arith.constant 0 : i32
      %dma_start3A_144 = tpu.memref_slice %arg3[%dma_start3A_142, %dma_start3A_143] : memref<100000x64xf32, #tpu.memory_space<hbm>> -> memref<100000x64xf32, #tpu.memory_space<hbm>>
      tpu.enqueue_indirect_dma source(%dma_start3A_144 : memref<100000x64xf32, #tpu.memory_space<hbm>>) target(%dma_start3A_138 : memref<128x64xf32, #tpu.memory_space<vmem>>) offsets(%dma_start3A_141 : memref<128xi32, #tpu.memory_space<vmem>>) semaphore(%arg9 : memref<!tpu.dma_semaphore, #tpu.memory_space<semaphore_mem>>)
      %dma_wait3A = arith.constant 0 : i32
      %dma_wait3A_145 = arith.constant 0 : i32
      %dma_wait3A_146 = arith.constant 0 : i32
      %dma_wait3A_147 = arith.constant 0 : i32
      %dma_wait3A_148 = tpu.memref_slice %arg6[%dma_wait3A_145, %dma_wait3A_146, %dma_wait3A_147] : memref<5x128x64xf32, #tpu.memory_space<vmem>> -> memref<1x128x64xf32, #tpu.memory_space<vmem>>
      %dma_wait3A_149 = tpu.memref_squeeze %dma_wait3A_148 : memref<1x128x64xf32, #tpu.memory_space<vmem>> -> memref<128x64xf32, #tpu.memory_space<vmem>>
      %dma_wait3A_150 = arith.constant 0 : i32
      %dma_wait3A_151 = tpu.memref_slice %arg5[%dma_wait3A, %dma_wait3A_150] : memref<50x128xi32, #tpu.memory_space<vmem>> -> memref<1x128xi32, #tpu.memory_space<vmem>>
      %dma_wait3A_152 = tpu.memref_squeeze %dma_wait3A_151 : memref<1x128xi32, #tpu.memory_space<vmem>> -> memref<128xi32, #tpu.memory_space<vmem>>
      %dma_wait3A_153 = arith.constant 0 : i32
      %dma_wait3A_154 = arith.constant 0 : i32
      %dma_wait3A_155 = tpu.memref_slice %arg3[%dma_wait3A_153, %dma_wait3A_154] : memref<100000x64xf32, #tpu.memory_space<hbm>> -> memref<100000x64xf32, #tpu.memory_space<hbm>>
      tpu.wait_indirect_dma semaphore(%arg8 : memref<!tpu.dma_semaphore, #tpu.memory_space<semaphore_mem>>) src(%dma_wait3A_155 : memref<100000x64xf32, #tpu.memory_space<hbm>>) dst(%dma_wait3A_149 : memref<128x64xf32, #tpu.memory_space<vmem>>)
      %dma_wait3A_156 = arith.constant 0 : i32
      %dma_wait3A_157 = arith.constant 1 : i32
      %dma_wait3A_158 = arith.constant 0 : i32
      %dma_wait3A_159 = arith.constant 0 : i32
      %dma_wait3A_160 = tpu.memref_slice %arg6[%dma_wait3A_157, %dma_wait3A_158, %dma_wait3A_159] : memref<5x128x64xf32, #tpu.memory_space<vmem>> -> memref<1x128x64xf32, #tpu.memory_space<vmem>>
      %dma_wait3A_161 = tpu.memref_squeeze %dma_wait3A_160 : memref<1x128x64xf32, #tpu.memory_space<vmem>> -> memref<128x64xf32, #tpu.memory_space<vmem>>
      %dma_wait3A_162 = arith.constant 0 : i32
      %dma_wait3A_163 = tpu.memref_slice %arg5[%dma_wait3A_156, %dma_wait3A_162] : memref<50x128xi32, #tpu.memory_space<vmem>> -> memref<1x128xi32, #tpu.memory_space<vmem>>
      %dma_wait3A_164 = tpu.memref_squeeze %dma_wait3A_163 : memref<1x128xi32, #tpu.memory_space<vmem>> -> memref<128xi32, #tpu.memory_space<vmem>>
      %dma_wait3A_165 = arith.constant 0 : i32
      %dma_wait3A_166 = arith.constant 0 : i32
      %dma_wait3A_167 = tpu.memref_slice %arg3[%dma_wait3A_165, %dma_wait3A_166] : memref<100000x64xf32, #tpu.memory_space<hbm>> -> memref<100000x64xf32, #tpu.memory_space<hbm>>
      tpu.wait_indirect_dma semaphore(%arg8 : memref<!tpu.dma_semaphore, #tpu.memory_space<semaphore_mem>>) src(%dma_wait3A_167 : memref<100000x64xf32, #tpu.memory_space<hbm>>) dst(%dma_wait3A_161 : memref<128x64xf32, #tpu.memory_space<vmem>>)
      %dma_wait3A_168 = arith.constant 0 : i32
      %dma_wait3A_169 = arith.constant 2 : i32
      %dma_wait3A_170 = arith.constant 0 : i32
      %dma_wait3A_171 = arith.constant 0 : i32
      %dma_wait3A_172 = tpu.memref_slice %arg6[%dma_wait3A_169, %dma_wait3A_170, %dma_wait3A_171] : memref<5x128x64xf32, #tpu.memory_space<vmem>> -> memref<1x128x64xf32, #tpu.memory_space<vmem>>
      %dma_wait3A_173 = tpu.memref_squeeze %dma_wait3A_172 : memref<1x128x64xf32, #tpu.memory_space<vmem>> -> memref<128x64xf32, #tpu.memory_space<vmem>>
      %dma_wait3A_174 = arith.constant 0 : i32
      %dma_wait3A_175 = tpu.memref_slice %arg5[%dma_wait3A_168, %dma_wait3A_174] : memref<50x128xi32, #tpu.memory_space<vmem>> -> memref<1x128xi32, #tpu.memory_space<vmem>>
      %dma_wait3A_176 = tpu.memref_squeeze %dma_wait3A_175 : memref<1x128xi32, #tpu.memory_space<vmem>> -> memref<128xi32, #tpu.memory_space<vmem>>
      %dma_wait3A_177 = arith.constant 0 : i32
      %dma_wait3A_178 = arith.constant 0 : i32
      %dma_wait3A_179 = tpu.memref_slice %arg3[%dma_wait3A_177, %dma_wait3A_178] : memref<100000x64xf32, #tpu.memory_space<hbm>> -> memref<100000x64xf32, #tpu.memory_space<hbm>>
      tpu.wait_indirect_dma semaphore(%arg8 : memref<!tpu.dma_semaphore, #tpu.memory_space<semaphore_mem>>) src(%dma_wait3A_179 : memref<100000x64xf32, #tpu.memory_space<hbm>>) dst(%dma_wait3A_173 : memref<128x64xf32, #tpu.memory_space<vmem>>)
      %dma_wait3A_180 = arith.constant 0 : i32
      %dma_wait3A_181 = arith.constant 3 : i32
      %dma_wait3A_182 = arith.constant 0 : i32
      %dma_wait3A_183 = arith.constant 0 : i32
      %dma_wait3A_184 = tpu.memref_slice %arg6[%dma_wait3A_181, %dma_wait3A_182, %dma_wait3A_183] : memref<5x128x64xf32, #tpu.memory_space<vmem>> -> memref<1x128x64xf32, #tpu.memory_space<vmem>>
      %dma_wait3A_185 = tpu.memref_squeeze %dma_wait3A_184 : memref<1x128x64xf32, #tpu.memory_space<vmem>> -> memref<128x64xf32, #tpu.memory_space<vmem>>
      %dma_wait3A_186 = arith.constant 0 : i32
      %dma_wait3A_187 = tpu.memref_slice %arg5[%dma_wait3A_180, %dma_wait3A_186] : memref<50x128xi32, #tpu.memory_space<vmem>> -> memref<1x128xi32, #tpu.memory_space<vmem>>
      %dma_wait3A_188 = tpu.memref_squeeze %dma_wait3A_187 : memref<1x128xi32, #tpu.memory_space<vmem>> -> memref<128xi32, #tpu.memory_space<vmem>>
      %dma_wait3A_189 = arith.constant 0 : i32
      %dma_wait3A_190 = arith.constant 0 : i32
      %dma_wait3A_191 = tpu.memref_slice %arg3[%dma_wait3A_189, %dma_wait3A_190] : memref<100000x64xf32, #tpu.memory_space<hbm>> -> memref<100000x64xf32, #tpu.memory_space<hbm>>
      tpu.wait_indirect_dma semaphore(%arg8 : memref<!tpu.dma_semaphore, #tpu.memory_space<semaphore_mem>>) src(%dma_wait3A_191 : memref<100000x64xf32, #tpu.memory_space<hbm>>) dst(%dma_wait3A_185 : memref<128x64xf32, #tpu.memory_space<vmem>>)
      %dma_wait3A_192 = arith.constant 0 : i32
      %dma_wait3A_193 = arith.constant 4 : i32
      %dma_wait3A_194 = arith.constant 0 : i32
      %dma_wait3A_195 = arith.constant 0 : i32
      %dma_wait3A_196 = tpu.memref_slice %arg6[%dma_wait3A_193, %dma_wait3A_194, %dma_wait3A_195] : memref<5x128x64xf32, #tpu.memory_space<vmem>> -> memref<1x128x64xf32, #tpu.memory_space<vmem>>
      %dma_wait3A_197 = tpu.memref_squeeze %dma_wait3A_196 : memref<1x128x64xf32, #tpu.memory_space<vmem>> -> memref<128x64xf32, #tpu.memory_space<vmem>>
      %dma_wait3A_198 = arith.constant 0 : i32
      %dma_wait3A_199 = tpu.memref_slice %arg5[%dma_wait3A_192, %dma_wait3A_198] : memref<50x128xi32, #tpu.memory_space<vmem>> -> memref<1x128xi32, #tpu.memory_space<vmem>>
      %dma_wait3A_200 = tpu.memref_squeeze %dma_wait3A_199 : memref<1x128xi32, #tpu.memory_space<vmem>> -> memref<128xi32, #tpu.memory_space<vmem>>
      %dma_wait3A_201 = arith.constant 0 : i32
      %dma_wait3A_202 = arith.constant 0 : i32
      %dma_wait3A_203 = tpu.memref_slice %arg3[%dma_wait3A_201, %dma_wait3A_202] : memref<100000x64xf32, #tpu.memory_space<hbm>> -> memref<100000x64xf32, #tpu.memory_space<hbm>>
      tpu.wait_indirect_dma semaphore(%arg8 : memref<!tpu.dma_semaphore, #tpu.memory_space<semaphore_mem>>) src(%dma_wait3A_203 : memref<100000x64xf32, #tpu.memory_space<hbm>>) dst(%dma_wait3A_197 : memref<128x64xf32, #tpu.memory_space<vmem>>)
      %mul3A_204 = arith.constant 2 : i32
      %mul3A_205 = arith.muli %mul3A_204, %scan3A_65 : i32
      %mul3A_206 = arith.constant 5 : i32
      %mul3A_207 = arith.muli %mul3A_205, %mul3A_206 : i32
      "tpu.region"() ({
        %run_scoped3A = tpu.sem_alloc : memref<!tpu.dma_semaphore, #tpu.memory_space<semaphore_mem>>
        %dma_start3A_276 = arith.constant 0 : i32
        %dma_start3A_277 = arith.constant 0 : i32
        %dma_start3A_278 = tpu.memref_slice %arg4[%add3A, %mul3A_207, %dma_start3A_276, %dma_start3A_277] : memref<32x50x128x64xf32, #tpu.memory_space<hbm>> -> memref<1x5x128x64xf32, #tpu.memory_space<hbm>>
        %dma_start3A_279 = tpu.memref_squeeze %dma_start3A_278 : memref<1x5x128x64xf32, #tpu.memory_space<hbm>> -> memref<5x128x64xf32, #tpu.memory_space<hbm>>
        %dma_start3A_280 = arith.constant 0 : i32
        %dma_start3A_281 = arith.constant 0 : i32
        %dma_start3A_282 = tpu.memref_slice %arg4[%add3A, %mul3A_207, %dma_start3A_280, %dma_start3A_281] : memref<32x50x128x64xf32, #tpu.memory_space<hbm>> -> memref<1x5x128x64xf32, #tpu.memory_space<hbm>>
        %dma_start3A_283 = tpu.memref_squeeze %dma_start3A_282 : memref<1x5x128x64xf32, #tpu.memory_space<hbm>> -> memref<5x128x64xf32, #tpu.memory_space<hbm>>
        tpu.enqueue_dma source(%arg6 : memref<5x128x64xf32, #tpu.memory_space<vmem>>) target(%dma_start3A_283 : memref<5x128x64xf32, #tpu.memory_space<hbm>>) target_semaphore(%run_scoped3A : memref<!tpu.dma_semaphore, #tpu.memory_space<semaphore_mem>>)
        %dma_wait3A_284 = arith.constant 0 : i32
        %dma_wait3A_285 = arith.constant 0 : i32
        %dma_wait3A_286 = tpu.memref_slice %arg4[%add3A, %mul3A_207, %dma_wait3A_284, %dma_wait3A_285] : memref<32x50x128x64xf32, #tpu.memory_space<hbm>> -> memref<1x5x128x64xf32, #tpu.memory_space<hbm>>
        %dma_wait3A_287 = tpu.memref_squeeze %dma_wait3A_286 : memref<1x5x128x64xf32, #tpu.memory_space<hbm>> -> memref<5x128x64xf32, #tpu.memory_space<hbm>>
        %dma_wait3A_288 = arith.constant 0 : i32
        %dma_wait3A_289 = arith.constant 0 : i32
        %dma_wait3A_290 = tpu.memref_slice %arg4[%add3A, %mul3A_207, %dma_wait3A_288, %dma_wait3A_289] : memref<32x50x128x64xf32, #tpu.memory_space<hbm>> -> memref<1x5x128x64xf32, #tpu.memory_space<hbm>>
        %dma_wait3A_291 = tpu.memref_squeeze %dma_wait3A_290 : memref<1x5x128x64xf32, #tpu.memory_space<hbm>> -> memref<5x128x64xf32, #tpu.memory_space<hbm>>
        tpu.wait_dma2 semaphore(%run_scoped3A : memref<!tpu.dma_semaphore, #tpu.memory_space<semaphore_mem>>) src(%arg6 : memref<5x128x64xf32, #tpu.memory_space<vmem>>) dst(%dma_wait3A_291 : memref<5x128x64xf32, #tpu.memory_space<hbm>>)
        tpu.yield
      }) : () -> ()
      %lt3A = arith.constant 4 : i32
      %lt3A_208 = arith.cmpi slt, %scan3A_65, %lt3A : i32
      %convert_element_type3A = arith.extui %lt3A_208 : i1 to i32
      %cond3A = arith.constant 0 : i32
      %cond3A_209 = arith.cmpi ne, %convert_element_type3A, %cond3A : i32
      scf.if %cond3A_209 {
        %mul3A_276 = arith.constant 2 : i32
        %mul3A_277 = arith.muli %mul3A_276, %scan3A_65 : i32
        %add3A_278 = arith.constant 2 : i32
        %add3A_279 = arith.addi %mul3A_277, %add3A_278 : i32
        %mul3A_280 = arith.constant 5 : i32
        %mul3A_281 = arith.muli %add3A_279, %mul3A_280 : i32
        %add3A_282 = arith.constant 0 : i32
        %add3A_283 = arith.addi %mul3A_281, %add3A_282 : i32
        %dma_start3A_284 = arith.constant 0 : i32
        %dma_start3A_285 = arith.constant 0 : i32
        %dma_start3A_286 = arith.constant 0 : i32
        %dma_start3A_287 = tpu.memref_slice %arg6[%dma_start3A_284, %dma_start3A_285, %dma_start3A_286] : memref<5x128x64xf32, #tpu.memory_space<vmem>> -> memref<1x128x64xf32, #tpu.memory_space<vmem>>
        %dma_start3A_288 = tpu.memref_squeeze %dma_start3A_287 : memref<1x128x64xf32, #tpu.memory_space<vmem>> -> memref<128x64xf32, #tpu.memory_space<vmem>>
        %dma_start3A_289 = arith.constant 0 : i32
        %dma_start3A_290 = tpu.memref_slice %arg5[%add3A_283, %dma_start3A_289] : memref<50x128xi32, #tpu.memory_space<vmem>> -> memref<1x128xi32, #tpu.memory_space<vmem>>
        %dma_start3A_291 = tpu.memref_squeeze %dma_start3A_290 : memref<1x128xi32, #tpu.memory_space<vmem>> -> memref<128xi32, #tpu.memory_space<vmem>>
        %dma_start3A_292 = arith.constant 0 : i32
        %dma_start3A_293 = arith.constant 0 : i32
        %dma_start3A_294 = tpu.memref_slice %arg3[%dma_start3A_292, %dma_start3A_293] : memref<100000x64xf32, #tpu.memory_space<hbm>> -> memref<100000x64xf32, #tpu.memory_space<hbm>>
        tpu.enqueue_indirect_dma source(%dma_start3A_294 : memref<100000x64xf32, #tpu.memory_space<hbm>>) target(%dma_start3A_288 : memref<128x64xf32, #tpu.memory_space<vmem>>) offsets(%dma_start3A_291 : memref<128xi32, #tpu.memory_space<vmem>>) semaphore(%arg8 : memref<!tpu.dma_semaphore, #tpu.memory_space<semaphore_mem>>)
        %mul3A_295 = arith.constant 5 : i32
        %mul3A_296 = arith.muli %add3A_279, %mul3A_295 : i32
        %add3A_297 = arith.constant 1 : i32
        %add3A_298 = arith.addi %mul3A_296, %add3A_297 : i32
        %dma_start3A_299 = arith.constant 1 : i32
        %dma_start3A_300 = arith.constant 0 : i32
        %dma_start3A_301 = arith.constant 0 : i32
        %dma_start3A_302 = tpu.memref_slice %arg6[%dma_start3A_299, %dma_start3A_300, %dma_start3A_301] : memref<5x128x64xf32, #tpu.memory_space<vmem>> -> memref<1x128x64xf32, #tpu.memory_space<vmem>>
        %dma_start3A_303 = tpu.memref_squeeze %dma_start3A_302 : memref<1x128x64xf32, #tpu.memory_space<vmem>> -> memref<128x64xf32, #tpu.memory_space<vmem>>
        %dma_start3A_304 = arith.constant 0 : i32
        %dma_start3A_305 = tpu.memref_slice %arg5[%add3A_298, %dma_start3A_304] : memref<50x128xi32, #tpu.memory_space<vmem>> -> memref<1x128xi32, #tpu.memory_space<vmem>>
        %dma_start3A_306 = tpu.memref_squeeze %dma_start3A_305 : memref<1x128xi32, #tpu.memory_space<vmem>> -> memref<128xi32, #tpu.memory_space<vmem>>
        %dma_start3A_307 = arith.constant 0 : i32
        %dma_start3A_308 = arith.constant 0 : i32
        %dma_start3A_309 = tpu.memref_slice %arg3[%dma_start3A_307, %dma_start3A_308] : memref<100000x64xf32, #tpu.memory_space<hbm>> -> memref<100000x64xf32, #tpu.memory_space<hbm>>
        tpu.enqueue_indirect_dma source(%dma_start3A_309 : memref<100000x64xf32, #tpu.memory_space<hbm>>) target(%dma_start3A_303 : memref<128x64xf32, #tpu.memory_space<vmem>>) offsets(%dma_start3A_306 : memref<128xi32, #tpu.memory_space<vmem>>) semaphore(%arg8 : memref<!tpu.dma_semaphore, #tpu.memory_space<semaphore_mem>>)
        %mul3A_310 = arith.constant 5 : i32
        %mul3A_311 = arith.muli %add3A_279, %mul3A_310 : i32
        %add3A_312 = arith.constant 2 : i32
        %add3A_313 = arith.addi %mul3A_311, %add3A_312 : i32
        %dma_start3A_314 = arith.constant 2 : i32
        %dma_start3A_315 = arith.constant 0 : i32
        %dma_start3A_316 = arith.constant 0 : i32
        %dma_start3A_317 = tpu.memref_slice %arg6[%dma_start3A_314, %dma_start3A_315, %dma_start3A_316] : memref<5x128x64xf32, #tpu.memory_space<vmem>> -> memref<1x128x64xf32, #tpu.memory_space<vmem>>
        %dma_start3A_318 = tpu.memref_squeeze %dma_start3A_317 : memref<1x128x64xf32, #tpu.memory_space<vmem>> -> memref<128x64xf32, #tpu.memory_space<vmem>>
        %dma_start3A_319 = arith.constant 0 : i32
        %dma_start3A_320 = tpu.memref_slice %arg5[%add3A_313, %dma_start3A_319] : memref<50x128xi32, #tpu.memory_space<vmem>> -> memref<1x128xi32, #tpu.memory_space<vmem>>
        %dma_start3A_321 = tpu.memref_squeeze %dma_start3A_320 : memref<1x128xi32, #tpu.memory_space<vmem>> -> memref<128xi32, #tpu.memory_space<vmem>>
        %dma_start3A_322 = arith.constant 0 : i32
        %dma_start3A_323 = arith.constant 0 : i32
        %dma_start3A_324 = tpu.memref_slice %arg3[%dma_start3A_322, %dma_start3A_323] : memref<100000x64xf32, #tpu.memory_space<hbm>> -> memref<100000x64xf32, #tpu.memory_space<hbm>>
        tpu.enqueue_indirect_dma source(%dma_start3A_324 : memref<100000x64xf32, #tpu.memory_space<hbm>>) target(%dma_start3A_318 : memref<128x64xf32, #tpu.memory_space<vmem>>) offsets(%dma_start3A_321 : memref<128xi32, #tpu.memory_space<vmem>>) semaphore(%arg8 : memref<!tpu.dma_semaphore, #tpu.memory_space<semaphore_mem>>)
        %mul3A_325 = arith.constant 5 : i32
        %mul3A_326 = arith.muli %add3A_279, %mul3A_325 : i32
        %add3A_327 = arith.constant 3 : i32
        %add3A_328 = arith.addi %mul3A_326, %add3A_327 : i32
        %dma_start3A_329 = arith.constant 3 : i32
        %dma_start3A_330 = arith.constant 0 : i32
        %dma_start3A_331 = arith.constant 0 : i32
        %dma_start3A_332 = tpu.memref_slice %arg6[%dma_start3A_329, %dma_start3A_330, %dma_start3A_331] : memref<5x128x64xf32, #tpu.memory_space<vmem>> -> memref<1x128x64xf32, #tpu.memory_space<vmem>>
        %dma_start3A_333 = tpu.memref_squeeze %dma_start3A_332 : memref<1x128x64xf32, #tpu.memory_space<vmem>> -> memref<128x64xf32, #tpu.memory_space<vmem>>
        %dma_start3A_334 = arith.constant 0 : i32
        %dma_start3A_335 = tpu.memref_slice %arg5[%add3A_328, %dma_start3A_334] : memref<50x128xi32, #tpu.memory_space<vmem>> -> memref<1x128xi32, #tpu.memory_space<vmem>>
        %dma_start3A_336 = tpu.memref_squeeze %dma_start3A_335 : memref<1x128xi32, #tpu.memory_space<vmem>> -> memref<128xi32, #tpu.memory_space<vmem>>
        %dma_start3A_337 = arith.constant 0 : i32
        %dma_start3A_338 = arith.constant 0 : i32
        %dma_start3A_339 = tpu.memref_slice %arg3[%dma_start3A_337, %dma_start3A_338] : memref<100000x64xf32, #tpu.memory_space<hbm>> -> memref<100000x64xf32, #tpu.memory_space<hbm>>
        tpu.enqueue_indirect_dma source(%dma_start3A_339 : memref<100000x64xf32, #tpu.memory_space<hbm>>) target(%dma_start3A_333 : memref<128x64xf32, #tpu.memory_space<vmem>>) offsets(%dma_start3A_336 : memref<128xi32, #tpu.memory_space<vmem>>) semaphore(%arg8 : memref<!tpu.dma_semaphore, #tpu.memory_space<semaphore_mem>>)
        %mul3A_340 = arith.constant 5 : i32
        %mul3A_341 = arith.muli %add3A_279, %mul3A_340 : i32
        %add3A_342 = arith.constant 4 : i32
        %add3A_343 = arith.addi %mul3A_341, %add3A_342 : i32
        %dma_start3A_344 = arith.constant 4 : i32
        %dma_start3A_345 = arith.constant 0 : i32
        %dma_start3A_346 = arith.constant 0 : i32
        %dma_start3A_347 = tpu.memref_slice %arg6[%dma_start3A_344, %dma_start3A_345, %dma_start3A_346] : memref<5x128x64xf32, #tpu.memory_space<vmem>> -> memref<1x128x64xf32, #tpu.memory_space<vmem>>
        %dma_start3A_348 = tpu.memref_squeeze %dma_start3A_347 : memref<1x128x64xf32, #tpu.memory_space<vmem>> -> memref<128x64xf32, #tpu.memory_space<vmem>>
        %dma_start3A_349 = arith.constant 0 : i32
        %dma_start3A_350 = tpu.memref_slice %arg5[%add3A_343, %dma_start3A_349] : memref<50x128xi32, #tpu.memory_space<vmem>> -> memref<1x128xi32, #tpu.memory_space<vmem>>
        %dma_start3A_351 = tpu.memref_squeeze %dma_start3A_350 : memref<1x128xi32, #tpu.memory_space<vmem>> -> memref<128xi32, #tpu.memory_space<vmem>>
        %dma_start3A_352 = arith.constant 0 : i32
        %dma_start3A_353 = arith.constant 0 : i32
        %dma_start3A_354 = tpu.memref_slice %arg3[%dma_start3A_352, %dma_start3A_353] : memref<100000x64xf32, #tpu.memory_space<hbm>> -> memref<100000x64xf32, #tpu.memory_space<hbm>>
        tpu.enqueue_indirect_dma source(%dma_start3A_354 : memref<100000x64xf32, #tpu.memory_space<hbm>>) target(%dma_start3A_348 : memref<128x64xf32, #tpu.memory_space<vmem>>) offsets(%dma_start3A_351 : memref<128xi32, #tpu.memory_space<vmem>>) semaphore(%arg8 : memref<!tpu.dma_semaphore, #tpu.memory_space<semaphore_mem>>)
      } else {
      }
      %dma_wait3A_210 = arith.constant 0 : i32
      %dma_wait3A_211 = arith.constant 0 : i32
      %dma_wait3A_212 = arith.constant 0 : i32
      %dma_wait3A_213 = arith.constant 0 : i32
      %dma_wait3A_214 = tpu.memref_slice %arg7[%dma_wait3A_211, %dma_wait3A_212, %dma_wait3A_213] : memref<5x128x64xf32, #tpu.memory_space<vmem>> -> memref<1x128x64xf32, #tpu.memory_space<vmem>>
      %dma_wait3A_215 = tpu.memref_squeeze %dma_wait3A_214 : memref<1x128x64xf32, #tpu.memory_space<vmem>> -> memref<128x64xf32, #tpu.memory_space<vmem>>
      %dma_wait3A_216 = arith.constant 0 : i32
      %dma_wait3A_217 = tpu.memref_slice %arg5[%dma_wait3A_210, %dma_wait3A_216] : memref<50x128xi32, #tpu.memory_space<vmem>> -> memref<1x128xi32, #tpu.memory_space<vmem>>
      %dma_wait3A_218 = tpu.memref_squeeze %dma_wait3A_217 : memref<1x128xi32, #tpu.memory_space<vmem>> -> memref<128xi32, #tpu.memory_space<vmem>>
      %dma_wait3A_219 = arith.constant 0 : i32
      %dma_wait3A_220 = arith.constant 0 : i32
      %dma_wait3A_221 = tpu.memref_slice %arg3[%dma_wait3A_219, %dma_wait3A_220] : memref<100000x64xf32, #tpu.memory_space<hbm>> -> memref<100000x64xf32, #tpu.memory_space<hbm>>
      tpu.wait_indirect_dma semaphore(%arg9 : memref<!tpu.dma_semaphore, #tpu.memory_space<semaphore_mem>>) src(%dma_wait3A_221 : memref<100000x64xf32, #tpu.memory_space<hbm>>) dst(%dma_wait3A_215 : memref<128x64xf32, #tpu.memory_space<vmem>>)
      %dma_wait3A_222 = arith.constant 0 : i32
      %dma_wait3A_223 = arith.constant 1 : i32
      %dma_wait3A_224 = arith.constant 0 : i32
      %dma_wait3A_225 = arith.constant 0 : i32
      %dma_wait3A_226 = tpu.memref_slice %arg7[%dma_wait3A_223, %dma_wait3A_224, %dma_wait3A_225] : memref<5x128x64xf32, #tpu.memory_space<vmem>> -> memref<1x128x64xf32, #tpu.memory_space<vmem>>
      %dma_wait3A_227 = tpu.memref_squeeze %dma_wait3A_226 : memref<1x128x64xf32, #tpu.memory_space<vmem>> -> memref<128x64xf32, #tpu.memory_space<vmem>>
      %dma_wait3A_228 = arith.constant 0 : i32
      %dma_wait3A_229 = tpu.memref_slice %arg5[%dma_wait3A_222, %dma_wait3A_228] : memref<50x128xi32, #tpu.memory_space<vmem>> -> memref<1x128xi32, #tpu.memory_space<vmem>>
      %dma_wait3A_230 = tpu.memref_squeeze %dma_wait3A_229 : memref<1x128xi32, #tpu.memory_space<vmem>> -> memref<128xi32, #tpu.memory_space<vmem>>
      %dma_wait3A_231 = arith.constant 0 : i32
      %dma_wait3A_232 = arith.constant 0 : i32
      %dma_wait3A_233 = tpu.memref_slice %arg3[%dma_wait3A_231, %dma_wait3A_232] : memref<100000x64xf32, #tpu.memory_space<hbm>> -> memref<100000x64xf32, #tpu.memory_space<hbm>>
      tpu.wait_indirect_dma semaphore(%arg9 : memref<!tpu.dma_semaphore, #tpu.memory_space<semaphore_mem>>) src(%dma_wait3A_233 : memref<100000x64xf32, #tpu.memory_space<hbm>>) dst(%dma_wait3A_227 : memref<128x64xf32, #tpu.memory_space<vmem>>)
      %dma_wait3A_234 = arith.constant 0 : i32
      %dma_wait3A_235 = arith.constant 2 : i32
      %dma_wait3A_236 = arith.constant 0 : i32
      %dma_wait3A_237 = arith.constant 0 : i32
      %dma_wait3A_238 = tpu.memref_slice %arg7[%dma_wait3A_235, %dma_wait3A_236, %dma_wait3A_237] : memref<5x128x64xf32, #tpu.memory_space<vmem>> -> memref<1x128x64xf32, #tpu.memory_space<vmem>>
      %dma_wait3A_239 = tpu.memref_squeeze %dma_wait3A_238 : memref<1x128x64xf32, #tpu.memory_space<vmem>> -> memref<128x64xf32, #tpu.memory_space<vmem>>
      %dma_wait3A_240 = arith.constant 0 : i32
      %dma_wait3A_241 = tpu.memref_slice %arg5[%dma_wait3A_234, %dma_wait3A_240] : memref<50x128xi32, #tpu.memory_space<vmem>> -> memref<1x128xi32, #tpu.memory_space<vmem>>
      %dma_wait3A_242 = tpu.memref_squeeze %dma_wait3A_241 : memref<1x128xi32, #tpu.memory_space<vmem>> -> memref<128xi32, #tpu.memory_space<vmem>>
      %dma_wait3A_243 = arith.constant 0 : i32
      %dma_wait3A_244 = arith.constant 0 : i32
      %dma_wait3A_245 = tpu.memref_slice %arg3[%dma_wait3A_243, %dma_wait3A_244] : memref<100000x64xf32, #tpu.memory_space<hbm>> -> memref<100000x64xf32, #tpu.memory_space<hbm>>
      tpu.wait_indirect_dma semaphore(%arg9 : memref<!tpu.dma_semaphore, #tpu.memory_space<semaphore_mem>>) src(%dma_wait3A_245 : memref<100000x64xf32, #tpu.memory_space<hbm>>) dst(%dma_wait3A_239 : memref<128x64xf32, #tpu.memory_space<vmem>>)
      %dma_wait3A_246 = arith.constant 0 : i32
      %dma_wait3A_247 = arith.constant 3 : i32
      %dma_wait3A_248 = arith.constant 0 : i32
      %dma_wait3A_249 = arith.constant 0 : i32
      %dma_wait3A_250 = tpu.memref_slice %arg7[%dma_wait3A_247, %dma_wait3A_248, %dma_wait3A_249] : memref<5x128x64xf32, #tpu.memory_space<vmem>> -> memref<1x128x64xf32, #tpu.memory_space<vmem>>
      %dma_wait3A_251 = tpu.memref_squeeze %dma_wait3A_250 : memref<1x128x64xf32, #tpu.memory_space<vmem>> -> memref<128x64xf32, #tpu.memory_space<vmem>>
      %dma_wait3A_252 = arith.constant 0 : i32
      %dma_wait3A_253 = tpu.memref_slice %arg5[%dma_wait3A_246, %dma_wait3A_252] : memref<50x128xi32, #tpu.memory_space<vmem>> -> memref<1x128xi32, #tpu.memory_space<vmem>>
      %dma_wait3A_254 = tpu.memref_squeeze %dma_wait3A_253 : memref<1x128xi32, #tpu.memory_space<vmem>> -> memref<128xi32, #tpu.memory_space<vmem>>
      %dma_wait3A_255 = arith.constant 0 : i32
      %dma_wait3A_256 = arith.constant 0 : i32
      %dma_wait3A_257 = tpu.memref_slice %arg3[%dma_wait3A_255, %dma_wait3A_256] : memref<100000x64xf32, #tpu.memory_space<hbm>> -> memref<100000x64xf32, #tpu.memory_space<hbm>>
      tpu.wait_indirect_dma semaphore(%arg9 : memref<!tpu.dma_semaphore, #tpu.memory_space<semaphore_mem>>) src(%dma_wait3A_257 : memref<100000x64xf32, #tpu.memory_space<hbm>>) dst(%dma_wait3A_251 : memref<128x64xf32, #tpu.memory_space<vmem>>)
      %dma_wait3A_258 = arith.constant 0 : i32
      %dma_wait3A_259 = arith.constant 4 : i32
      %dma_wait3A_260 = arith.constant 0 : i32
      %dma_wait3A_261 = arith.constant 0 : i32
      %dma_wait3A_262 = tpu.memref_slice %arg7[%dma_wait3A_259, %dma_wait3A_260, %dma_wait3A_261] : memref<5x128x64xf32, #tpu.memory_space<vmem>> -> memref<1x128x64xf32, #tpu.memory_space<vmem>>
      %dma_wait3A_263 = tpu.memref_squeeze %dma_wait3A_262 : memref<1x128x64xf32, #tpu.memory_space<vmem>> -> memref<128x64xf32, #tpu.memory_space<vmem>>
      %dma_wait3A_264 = arith.constant 0 : i32
      %dma_wait3A_265 = tpu.memref_slice %arg5[%dma_wait3A_258, %dma_wait3A_264] : memref<50x128xi32, #tpu.memory_space<vmem>> -> memref<1x128xi32, #tpu.memory_space<vmem>>
      %dma_wait3A_266 = tpu.memref_squeeze %dma_wait3A_265 : memref<1x128xi32, #tpu.memory_space<vmem>> -> memref<128xi32, #tpu.memory_space<vmem>>
      %dma_wait3A_267 = arith.constant 0 : i32
      %dma_wait3A_268 = arith.constant 0 : i32
      %dma_wait3A_269 = tpu.memref_slice %arg3[%dma_wait3A_267, %dma_wait3A_268] : memref<100000x64xf32, #tpu.memory_space<hbm>> -> memref<100000x64xf32, #tpu.memory_space<hbm>>
      tpu.wait_indirect_dma semaphore(%arg9 : memref<!tpu.dma_semaphore, #tpu.memory_space<semaphore_mem>>) src(%dma_wait3A_269 : memref<100000x64xf32, #tpu.memory_space<hbm>>) dst(%dma_wait3A_263 : memref<128x64xf32, #tpu.memory_space<vmem>>)
      %mul3A_270 = arith.constant 2 : i32
      %mul3A_271 = arith.muli %mul3A_270, %scan3A_65 : i32
      %add3A_272 = arith.constant 1 : i32
      %add3A_273 = arith.addi %mul3A_271, %add3A_272 : i32
      %mul3A_274 = arith.constant 5 : i32
      %mul3A_275 = arith.muli %add3A_273, %mul3A_274 : i32
      "tpu.region"() ({
        %run_scoped3A = tpu.sem_alloc : memref<!tpu.dma_semaphore, #tpu.memory_space<semaphore_mem>>
        %dma_start3A_276 = arith.constant 0 : i32
        %dma_start3A_277 = arith.constant 0 : i32
        %dma_start3A_278 = tpu.memref_slice %arg4[%add3A, %mul3A_275, %dma_start3A_276, %dma_start3A_277] : memref<32x50x128x64xf32, #tpu.memory_space<hbm>> -> memref<1x5x128x64xf32, #tpu.memory_space<hbm>>
        %dma_start3A_279 = tpu.memref_squeeze %dma_start3A_278 : memref<1x5x128x64xf32, #tpu.memory_space<hbm>> -> memref<5x128x64xf32, #tpu.memory_space<hbm>>
        %dma_start3A_280 = arith.constant 0 : i32
        %dma_start3A_281 = arith.constant 0 : i32
        %dma_start3A_282 = tpu.memref_slice %arg4[%add3A, %mul3A_275, %dma_start3A_280, %dma_start3A_281] : memref<32x50x128x64xf32, #tpu.memory_space<hbm>> -> memref<1x5x128x64xf32, #tpu.memory_space<hbm>>
        %dma_start3A_283 = tpu.memref_squeeze %dma_start3A_282 : memref<1x5x128x64xf32, #tpu.memory_space<hbm>> -> memref<5x128x64xf32, #tpu.memory_space<hbm>>
        tpu.enqueue_dma source(%arg7 : memref<5x128x64xf32, #tpu.memory_space<vmem>>) target(%dma_start3A_283 : memref<5x128x64xf32, #tpu.memory_space<hbm>>) target_semaphore(%run_scoped3A : memref<!tpu.dma_semaphore, #tpu.memory_space<semaphore_mem>>)
        %dma_wait3A_284 = arith.constant 0 : i32
        %dma_wait3A_285 = arith.constant 0 : i32
        %dma_wait3A_286 = tpu.memref_slice %arg4[%add3A, %mul3A_275, %dma_wait3A_284, %dma_wait3A_285] : memref<32x50x128x64xf32, #tpu.memory_space<hbm>> -> memref<1x5x128x64xf32, #tpu.memory_space<hbm>>
        %dma_wait3A_287 = tpu.memref_squeeze %dma_wait3A_286 : memref<1x5x128x64xf32, #tpu.memory_space<hbm>> -> memref<5x128x64xf32, #tpu.memory_space<hbm>>
        %dma_wait3A_288 = arith.constant 0 : i32
        %dma_wait3A_289 = arith.constant 0 : i32
        %dma_wait3A_290 = tpu.memref_slice %arg4[%add3A, %mul3A_275, %dma_wait3A_288, %dma_wait3A_289] : memref<32x50x128x64xf32, #tpu.memory_space<hbm>> -> memref<1x5x128x64xf32, #tpu.memory_space<hbm>>
        %dma_wait3A_291 = tpu.memref_squeeze %dma_wait3A_290 : memref<1x5x128x64xf32, #tpu.memory_space<hbm>> -> memref<5x128x64xf32, #tpu.memory_space<hbm>>
        tpu.wait_dma2 semaphore(%run_scoped3A : memref<!tpu.dma_semaphore, #tpu.memory_space<semaphore_mem>>) src(%arg7 : memref<5x128x64xf32, #tpu.memory_space<vmem>>) dst(%dma_wait3A_291 : memref<5x128x64xf32, #tpu.memory_space<hbm>>)
        tpu.yield
      }) : () -> ()
    }
    %scan3A_64 = arith.constant 5 : i32
    return
  }
}

</mosaic_0001>

<sc_bundles>
// kernel: _emb.3.cloned.1.call-start
scs
__scs_entry_jumppad:
0x0: {  	(pc) =	sbr.rel $0x88, $3  }
0x1: {  	(tag) =	ssettag $0x0;
	lr =	simm.s32 $0x1  }
0x2: {  	[smem:$0x3F9F] =	sst lr;
	_ =	strace $0xD0000000  }
0x3: {  	_ = 	snop  }
0x4: {  	_ = 	snop  }
0x5: {  	_ = 	snop  }
0x6: {  	_ = 	snop  }
0x7: {  	_ = 	snop  }
__scs_overlays_trampoline_lowered:
0x8: {  	[smem:$0x3FAE] =	sst s0  }
0x9: {  	[smem:$0x3FAF] =	sst s1  }
0xa: {  	[smem:$0x3FB0] =	sst s2  }
0xb: {  	[smem:$0x3FB1] =	sst s3  }
0xc: {  	[smem:$0x3FB2] =	sst s4  }
0xd: {  	[smem:$0x3FB3] =	sst s5  }
0xe: {  	[smem:$0x3FB4] =	sst s6  }
0xf: {  	[smem:$0x3FB5] =	sst s7  }
0x10: {  	[smem:$0x3FB6] =	sst s8  }
0x11: {  	[smem:$0x3FB7] =	sst s9;
	s0 =	simm.s32 @!p0 $0x0  }
0x12: {  	s1 =	sld [smem:$0x3F9D];
	s0 =	simm.s32 @p0 $0x1  }
0x13: {  	[smem:$0x3FB8] =	sst s0;
	s0 =	simm.s32 @!p1 $0x0  }
0x14: {  	s2 =	sld [smem:$0x3F9C];
	s0 =	simm.s32 @p1 $0x1  }
0x15: {  	[smem:$0x3FB9] =	sst s0;
	s0 =	simm.s32 @!p2 $0x0  }
0x16: {  	s3 =	sld [smem:$0x3FDB];
	s0 =	simm.s32 @p2 $0x1  }
0x17: {  	s4 =	simm.s32 $0x1BF5;
	[smem:$0x3FBB] =	sst s0  }
0x18: {  	s0 =	sld [smem:$0x3F9E];
	_ =	swait.ge [sflag:s4], $0x0  }
0x19: {  	s7 =	sld [smem:$0x3F9F]  }
0x1a: {  	s8 =	sadd.s32 $0xFFFFE003, lr  }
0x1b: {  	s9 =	sadd.s32 $0xFFFFFEF7, lr;
	s5 =	simm.s32 $0xFFFFFFFF;
	p2 =	slt.u32 s8, $0xFFFFF086  }
0x1c: {  	p1 =	slt.u32 s9, $0xF7A;
	s5 =	simm.s32 @!p2 $0x0  }
0x1d: {  	s5 =	simm.s32 @p1 $0x1;
	p0 =	seq.s32 s7, s2  }
0x1e: {  	s7 =	smul.u32 @!p0 $0xF7A, s2;
	p2 =	seq.s32 @!p0 s5, $0x0  }
0x1f: {  	s9 =	smul.u32 $0xF7A, s1;
	s8 =	simm.s32 @!p0 $0x1BF5;
	p2 =	por !p2, p0  }
0x20: {  	[sflag:s8] =	ssyncset.s32 @!p0 $0xFFFFF086;
	s6 =	sadd.s32 @!p0 s3, s7;
	s7 =	simm.s32 @!p0 $0x108  }
0x21: {  	s3 =	sadd.s32 s3, s9;
	s6 =	sadd.s32 @!p0 $0x88, s6;
	s7 =	simm.s32 @p2 $0x1082  }
0x22: {  	[simem:s7], [sflag:s8] =	dma.local @!p0 [hbm:s6], $0xF7A  }
0x23: {  	s9 =	sor.u32 $0xD0000000, s2;
	s6 =	simm.s32 $0x108;
	_ =	swait.ge @!p0 [sflag:s8], $0x0  }
0x24: {  	s3 =	sadd.s32 $0x88, s3;
	s6 =	simm.s32 @!p1 $0x1082;
	[sflag:s4] =	ssyncset.s32 $0xFFFFF086  }
0x25: {  	[simem:s6], [sflag:s4] =	dma.local [hbm:s3], $0xF7A  }
0x26: {  	[smem:$0x3F9F] =	sst s1;
	(tag) =	ssettag s2;
	_ =	strace s9  }
0x27: {  	s1 =	sld [smem:$0x3FAF]  }
0x28: {  	s2 =	sld [smem:$0x3FB0]  }
0x29: {  	s4 =	sld [smem:$0x3FB2]  }
0x2a: {  	p0 =	seq.s32 s5, $0x0;
	s5 =	sld [smem:$0x3FB3]  }
0x2b: {  	s6 =	sld [smem:$0x3FB4]  }
0x2c: {  	s7 =	sld [smem:$0x3FB5]  }
0x2d: {  	s3 =	simm.s32 $0x108;
	s8 =	sld [smem:$0x3FB6]  }
0x2e: {  	s3 =	simm.s32 @!p0 $0x1082;
	s9 =	sld [smem:$0x3FB7]  }
0x2f: {  	lr =	sadd.s32 s0, s3;
	s0 =	sld [smem:$0x3FAE]  }
0x30: {  	s3 =	sld [smem:$0x3FB1]  }
0x31: {  	[smem:$0x3FBA] =	sst s10  }
0x32: {  	s10 =	sld [smem:$0x3FB8];
	_ =	sdelay $0x3  }
0x33: {  	p0 =	seq.s32 s10, $0x1;
	s10 =	sld [smem:$0x3FBA];
	_ =	sdelay $0x3  }
0x34: {  	[smem:$0x3FBA] =	sst s10  }
0x35: {  	s10 =	sld [smem:$0x3FB9];
	_ =	sdelay $0x3  }
0x36: {  	p1 =	seq.s32 s10, $0x1;
	s10 =	sld [smem:$0x3FBA];
	_ =	sdelay $0x3  }
0x37: {  	[smem:$0x3FBA] =	sst s10  }
0x38: {  	s10 =	sld [smem:$0x3FBB]  }
0x39: {  	_ = 	snop;
	(pc) =	sbr.ind lr, $3  }
0x3a: {  	_ = 	snop  }
0x3b: {  	_ = 	snop  }
0x3c: {  	p2 =	seq.s32 s10, $0x1;
	s10 =	sld [smem:$0x3FBA]  }
0x3d: {  	_ =	shalt  }
0x3e: {  	_ =	shalt  }
0x3f: {  	_ =	shalt  }
0x40: {  	_ =	shalt  }
0x41: {  	_ =	shalt  }
0x42: {  	_ =	shalt  }
0x43: {  	_ =	shalt  }
0x44: {  	_ =	shalt  }
0x45: {  	_ =	shalt  }
0x46: {  	_ =	shalt  }
0x47: {  	_ =	shalt  }
0x48: {  	_ =	shalt  }
0x49: {  	_ =	shalt  }
0x4a: {  	_ =	shalt  }
0x4b: {  	_ =	shalt  }
0x4c: {  	_ =	shalt  }
0x4d: {  	_ =	shalt  }
0x4e: {  	_ =	shalt  }
0x4f: {  	_ =	shalt  }
0x50: {  	_ =	shalt  }
0x51: {  	_ =	shalt  }
0x52: {  	_ =	shalt  }
0x53: {  	_ =	shalt  }
0x54: {  	_ =	shalt  }
0x55: {  	_ =	shalt  }
0x56: {  	_ =	shalt  }
0x57: {  	_ =	shalt  }
0x58: {  	_ =	shalt  }
0x59: {  	_ =	shalt  }
0x5a: {  	_ =	shalt  }
0x5b: {  	_ =	shalt  }
0x5c: {  	_ =	shalt  }
0x5d: {  	_ =	shalt  }
0x5e: {  	_ =	shalt  }
0x5f: {  	_ =	shalt  }
0x60: {  	_ =	shalt  }
0x61: {  	_ =	shalt  }
0x62: {  	_ =	shalt  }
0x63: {  	_ =	shalt  }
0x64: {  	_ =	shalt  }
0x65: {  	_ =	shalt  }
0x66: {  	_ =	shalt  }
0x67: {  	_ =	shalt  }
0x68: {  	_ =	shalt  }
0x69: {  	_ =	shalt  }
0x6a: {  	_ =	shalt  }
0x6b: {  	_ =	shalt  }
0x6c: {  	_ =	shalt  }
0x6d: {  	_ =	shalt  }
0x6e: {  	_ =	shalt  }
0x6f: {  	_ =	shalt  }
0x70: {  	_ =	shalt  }
0x71: {  	_ =	shalt  }
0x72: {  	_ =	shalt  }
0x73: {  	_ =	shalt  }
0x74: {  	_ =	shalt  }
0x75: {  	_ =	shalt  }
0x76: {  	_ =	shalt  }
0x77: {  	_ =	shalt  }
0x78: {  	_ =	shalt  }
0x79: {  	_ =	shalt  }
0x7a: {  	_ =	shalt  }
0x7b: {  	_ =	shalt  }
0x7c: {  	_ =	shalt  }
0x7d: {  	_ =	shalt  }
0x7e: {  	_ =	shalt  }
0x7f: {  	_ =	shalt  }
0x80: {  	_ =	shalt  }
0x81: {  	_ =	shalt  }
0x82: {  	_ =	shalt  }
0x83: {  	_ =	shalt  }
0x84: {  	_ =	shalt  }
0x85: {  	_ =	shalt  }
0x86: {  	_ =	shalt  }
0x87: {  	_ =	shalt  }
.Lfunc_end0:
.L_simem_size_0:
called_computation.1_lowered:
.L_overlay_start_0:
0x88: {  	s2 =	sld [smem:$0x3FD9]  }
0x89: {  	s3 =	sld [smem:$0x3FFE];
	_ =	sdelay $0x1  }
0x8a: {  	s1 =	srdreg.scid  }
0x8b: {  	s0 =	sand.u32 $0x1, s1  }
0x8c: {  	s17 =	sshll.u32 s0, $0xA;
	s2 =	sadd.s32 s3, s2  }
0x8d: {  	s2 =	sadd.s32 s2, s17  }
0x8e: {  	[smem:$0x3FC6] =	sst s2  }
0x8f: {  	_ = 	snop  }
0x90: {  	s2 =	sld [smem:$0x3FD0];
	(tm) =	ssettm $0x1  }
0x91: {  	s18 =	sld [smem:$0x3FFB];
	_ =	sdelay $0x3  }
0x92: {  	_ =	strace s18  }
0x93: {  	s3 =	sld [smem:$0x3FFC];
	_ =	sdelay $0x3  }
0x94: {  	_ =	strace s3  }
0x95: {  	s3 =	sld [smem:$0x3FFD];
	_ =	sdelay $0x3  }
0x96: {  	_ =	strace s3  }
0x97: {  	_ =	strace $0x8FFFFFFF  }
0x98: {  	s19 =	sld [smem:$0x3FDB];
	_ =	sdelay $0x1  }
0x99: {  	s4 =	simm.s32 $_scs_section_size  }
0x9a: {  	s5 =	simm.s32 $_size__tile_overlayer_lowered;
	s6 =	simm.s32 $_tile_overlayer_lowered  }
0x9b: {  	s22 =	simm.s32 $0x1BFF;
	s21 =	sshll.u32 s6, $0x1;
	s3 =	sadd.s32 s4, s19  }
0x9c: {  	s7 =	simm.s32 $0x0;
	s20 =	sshll.u32 s5, $0x1;
	s5 =	sadd.s32 s21, s3  }
0x9d: {  	[timem:s7], [sflag:s22] =	dma.local [hbm:s5], s20  }
0x9e: {  	_ =	swait.ge [sflag:s22], s20  }
0x9f: {  	s4 =	ssub.s32 $0x0, s20;
	[sflag:s22] =	ssyncset.done $0x0  }
0xa0: {  	[sflag:s22] =	ssyncadd.s32 s4;
	_ =	sdelay $0x1  }
0xa1: {  	s23 =	simm.s32 $0x1B8B  }
0xa2: {  	_ =	swait.ge [sflag:s23], $0x1  }
0xa3: {  	[sflag:s23] =	ssyncset.done $0x0  }
0xa4: {  	s25 =	simm.s32 $0x1B8E;
	s24 =	sld [smem:$0x3FFE];
	[sflag:s23] =	ssyncadd.s32 $0xFFFFFFFF  }
0xa5: {  	s26 =	simm.s32 $execute0_lowered;
	[smem:$0x3FD2] =	sst s25  }
0xa6: {  	s5 =	sshll.u32 s26, $0x1;
	_ =	strace $0x80000046;
	[dreg:$0x1] =	wrdreg $0xFFFFFFFF  }
0xa7: {  	s28 =	simm.s32 $_size_execute0_lowered;
	s3 =	sadd.s32 s3, s5;
	[dreg:$0x0] =	wrdreg $0x0  }
0xa8: {  	s5 =	sshll.u32 s28, $0x1;
	[dreg:$0x2] =	wrdreg s3  }
0xa9: {  	[dreg:$0x3] =	wrdreg s5  }
0xaa: {  	[dreg:$0x4] =	wrdreg $0xC0  }
0xab: {  	_ =	task [dreg:s7], $0x5FFFF  }
0xac: {  	[dreg:$0x1] =	wrdreg $0xFFFFFFFF  }
0xad: {  	[dreg:$0x0] =	wrdreg $0x60  }
0xae: {  	[dreg:$0x2] =	wrdreg s24  }
0xaf: {  	[dreg:$0x3] =	wrdreg s2  }
0xb0: {  	[dreg:$0x4] =	wrdreg $0x9  }
0xb1: {  	_ =	task.clear_ibuf [dreg:s7], $0x5FFFF;
	_ =	strace $0x90000046  }
0xb2: {  	s29 =	simm.s32 $0x9;
	_ =	strace $0x80000048  }
0xb3: {  	_ =	swait.ge [sflag:s29], $0x1  }
0xb4: {  	[sflag:s29] =	ssyncadd.s32 $0xFFFFFFFF  }
0xb5: {  	_ =	strace $0x90000048  }
0xb6: {  	_ =	sfence  }
0xb7: {  	s30 =	sld [smem:$0x0];
	_ =	sdelay $0x2  }
0xb8: {  	s31 =	sshll.u32 s1, $0xD;
	s1 =	sshrl.u32 s1, $0x2  }
0xb9: {  	s3 =	sand.u32 $0x4000, s31;
	s1 =	sadd.s32 s1, s30  }
0xba: {  	s0 =	sor.u32 s3, s0;
	s1 =	sshll.u32 s1, $0x11  }
0xbb: {  	s0 =	sor.u32 s1, s0  }
0xbc: {  	s0 =	sadd.s32 $0x8F2B, s0  }
0xbd: {  	[sflag:s0] =	ssyncadd.remote.s32 $0x1  }
0xbe: {  	_ =	sfence.sel $0xFFFF  }
0xbf: {  	[dreg:$0x0] =	wrdreg $0xFFFFFFFF;
	(pc) =	sbr.abs _section_cstart, $3  }
0xc0: {  	[dreg:$0x1] =	wrdreg $0xFFFFFFFF  }
0xc1: {  	_ =	task.clear_ibuf [dreg:s7], $0x2FFFF;
	_ =	strace $0x9FFFFFFF  }
0xc2: {  	(tm) =	ssettm $0x7FFFFFFF  }
0xc3: {  	_ =	shalt  }
tec
execute0_lowered:
.L_overlay_start_1:
0x0: {  	(tag) =	ssettag $0x1  }
0x1: {  	s0 =	rddreg [dreg:$0x0];
	s1 =	srdreg.scid  }
0x2: {  	s7 =	stileid.u32;
	s9 =	rddreg [dreg:$0x1];
	s2 =	simm.s32 $0x0  }
0x3: {  	s10 =	simm.s32 $0x3;
	s11 =	simm.s32 $0x80;
	s12 =	simm.s32 $0x1900  }
0x4: {  	s13 =	simm.s32 $0x3900;
	s15 =	simm.s32 $0x5900;
	s17 =	simm.s32 $0x7900  }
0x5: {  	s19 =	simm.s32 $0x9900;
	s20 =	simm.s32 $0xB900;
	s21 =	simm.s32 $0xD900  }
0x6: {  	s22 =	simm.s32 $0xF900;
	s23 =	simm.s32 $0x11900;
	s24 =	simm.s32 $0x13900  }
0x7: {  	s1 =	sand.u32 $0x1, s1;
	s3 =	sshll.u32 s7, $0x1;
	s7 =	smul.u32 $0xC8000, s7  }
0x8: {  	s3 =	sor.u32 s1, s3;
	s6 =	ssub.s32 $0x2, s1;
	s1 =	smul.u32 $0x64000, s1  }
0x9: {  	s25 =	simm.s32 $0x1;
	[smem:$0x7FF] =	sst s2;
	s4 =	smul.u32 $0x320, s3  }
0xa: {  	s26 =	simm.s32 $0x2;
	_ =	strace $0x80000047;
	s5 =	smul.u32 $0x64000, s3  }
0xb: {  	s3 =	sadd.s32 $0x6C00, s0;
	s28 =	sshrl.u32 s6, $0x1;
	s1 =	sadd.s32 s1, s7  }
0xc: {  	s4 =	sadd.s32 s4, s0;
	s0 =	ssub.s32 s6, s28;
	s29 =	sshrl.u32 s5, $0x3  }
0xd: {  	s8 =	sshrl.u32 s1, $0x3;
	s1 =	sadd.s32 $0xA000, s1;
	s4 =	sadd.s32 $0x800, s4  }
0xe: {  	s5 =	smax.u32 s0, $0x1;
	s30 =	sadd.s32 s9, s29;
	s8 =	sadd.s32 s8, s9  }
0xf: {  	s31 =	sshrl.u32 s1, $0x3;
	s1 =	simm.s32 $0x1880;
	s0 =	simm.s32 $0x0  }
0x10: {  	s6 =	sadd.s32 $0xA000, s30;
	s7 =	sadd.s32 $0xB400, s30;
	s9 =	sadd.s32 s31, s9  }
.LBB2_1:
0x11: {  	[tilespmem:s2], [sflag:$0x3] =	stream.linear.gather [hbm4b:s4+s2], $0x1900, $0x38;
	[tilespmem:$0x15900] =	vst v63  }
0x12: {  	_ =	swait.ge [sflag:s10], $0x1900  }
0x13: {  	[sflag:s10] =	ssyncset.done $0x0  }
0x14: {  	[sflag:s10] =	ssyncadd.s32 $0xFFFFE700  }
0x15: {  	[tilespmem:s12], [sflag:$0x1] =	stream.indirect.gather [hbm4b:s3+s11], $0x40, s2, s11, $0xb8;
	[tilespmem:$0x15900] =	vst v63  }
0x16: {  	_ = 	snop  }
0x17: {  	[tilespmem:s13], [sflag:$0x1] =	stream.indirect.gather [hbm4b:s3+s11], $0x40, s11, s11, $0xb8;
	[tilespmem:$0x15900] =	vst v63  }
0x18: {  	s14 =	simm.s32 $0x100  }
0x19: {  	[tilespmem:s15], [sflag:$0x1] =	stream.indirect.gather [hbm4b:s3+s11], $0x40, s14, s11, $0xb8;
	[tilespmem:$0x15900] =	vst v63  }
0x1a: {  	s30 =	simm.s32 $0x180  }
0x1b: {  	[tilespmem:s17], [sflag:$0x1] =	stream.indirect.gather [hbm4b:s3+s11], $0x40, s30, s11, $0xb8;
	[tilespmem:$0x15900] =	vst v63  }
0x1c: {  	s31 =	simm.s32 $0x200  }
0x1d: {  	[tilespmem:s19], [sflag:$0x1] =	stream.indirect.gather [hbm4b:s3+s11], $0x40, s31, s11, $0xb8;
	[tilespmem:$0x15900] =	vst v63  }
0x1e: {  	s16 =	simm.s32 $0x280  }
0x1f: {  	[tilespmem:s20], [sflag:$0x2] =	stream.indirect.gather [hbm4b:s3+s11], $0x40, s16, s11, $0xb8;
	[tilespmem:$0x15900] =	vst v63  }
0x20: {  	s18 =	simm.s32 $0x300  }
0x21: {  	[tilespmem:s21], [sflag:$0x2] =	stream.indirect.gather [hbm4b:s3+s11], $0x40, s18, s11, $0xb8;
	[tilespmem:$0x15900] =	vst v63  }
0x22: {  	s29 =	simm.s32 $0x380  }
0x23: {  	[tilespmem:s22], [sflag:$0x2] =	stream.indirect.gather [hbm4b:s3+s11], $0x40, s29, s11, $0xb8;
	[tilespmem:$0x15900] =	vst v63  }
0x24: {  	s30 =	simm.s32 $0x400  }
0x25: {  	[tilespmem:s23], [sflag:$0x2] =	stream.indirect.gather [hbm4b:s3+s11], $0x40, s30, s11, $0xb8;
	[tilespmem:$0x15900] =	vst v63  }
0x26: {  	s31 =	simm.s32 $0x480  }
0x27: {  	[tilespmem:s24], [sflag:$0x2] =	stream.indirect.gather [hbm4b:s3+s11], $0x40, s31, s11, $0xb8;
	[tilespmem:$0x15900] =	vst v63  }
0x28: {  	_ =	swait.ge [sflag:s25], $0x2000  }
0x29: {  	[sflag:s25] =	ssyncset.done $0x0  }
0x2a: {  	[sflag:s25] =	ssyncadd.s32 $0xFFFFE000  }
0x2b: {  	_ =	swait.ge [sflag:s25], $0x2000  }
0x2c: {  	[sflag:s25] =	ssyncset.done $0x0  }
0x2d: {  	[sflag:s25] =	ssyncadd.s32 $0xFFFFE000  }
0x2e: {  	_ =	swait.ge [sflag:s25], $0x2000  }
0x2f: {  	[sflag:s25] =	ssyncset.done $0x0  }
0x30: {  	[sflag:s25] =	ssyncadd.s32 $0xFFFFE000  }
0x31: {  	_ =	swait.ge [sflag:s25], $0x2000  }
0x32: {  	[sflag:s25] =	ssyncset.done $0x0  }
0x33: {  	[sflag:s25] =	ssyncadd.s32 $0xFFFFE000  }
0x34: {  	_ =	swait.ge [sflag:s25], $0x2000  }
0x35: {  	[sflag:s25] =	ssyncset.done $0x0  }
0x36: {  	[sflag:s25] =	ssyncadd.s32 $0xFFFFE000  }
0x37: {  	[hbm4b:s8+s2] =	stream.linear.scatter [tilespmem:s12], [sflag:$0x3], $0xA000, $0x38;
	[tilespmem:$0x15900] =	vst v63  }
0x38: {  	_ =	swait.ge [sflag:s10], $0xA000  }
0x39: {  	[sflag:s10] =	ssyncset.done $0x0  }
0x3a: {  	s16 =	simm.s32 $0x500;
	[sflag:s10] =	ssyncadd.s32 $0xFFFF6000  }
0x3b: {  	[tilespmem:s12], [sflag:$0x1] =	stream.indirect.gather [hbm4b:s3+s11], $0x40, s16, s11, $0xb8;
	[tilespmem:$0x15900] =	vst v63  }
0x3c: {  	s18 =	simm.s32 $0x580  }
0x3d: {  	[tilespmem:s13], [sflag:$0x1] =	stream.indirect.gather [hbm4b:s3+s11], $0x40, s18, s11, $0xb8;
	[tilespmem:$0x15900] =	vst v63  }
0x3e: {  	s29 =	simm.s32 $0x600  }
0x3f: {  	[tilespmem:s15], [sflag:$0x1] =	stream.indirect.gather [hbm4b:s3+s11], $0x40, s29, s11, $0xb8;
	[tilespmem:$0x15900] =	vst v63  }
0x40: {  	s30 =	simm.s32 $0x680  }
0x41: {  	[tilespmem:s17], [sflag:$0x1] =	stream.indirect.gather [hbm4b:s3+s11], $0x40, s30, s11, $0xb8;
	[tilespmem:$0x15900] =	vst v63  }
0x42: {  	s31 =	simm.s32 $0x700  }
0x43: {  	[tilespmem:s19], [sflag:$0x1] =	stream.indirect.gather [hbm4b:s3+s11], $0x40, s31, s11, $0xb8;
	[tilespmem:$0x15900] =	vst v63  }
0x44: {  	_ =	swait.ge [sflag:s26], $0x2000  }
0x45: {  	[sflag:s26] =	ssyncset.done $0x0  }
0x46: {  	[sflag:s26] =	ssyncadd.s32 $0xFFFFE000  }
0x47: {  	_ =	swait.ge [sflag:s26], $0x2000  }
0x48: {  	[sflag:s26] =	ssyncset.done $0x0  }
0x49: {  	[sflag:s26] =	ssyncadd.s32 $0xFFFFE000  }
0x4a: {  	_ =	swait.ge [sflag:s26], $0x2000  }
0x4b: {  	[sflag:s26] =	ssyncset.done $0x0  }
0x4c: {  	[sflag:s26] =	ssyncadd.s32 $0xFFFFE000  }
0x4d: {  	_ =	swait.ge [sflag:s26], $0x2000  }
0x4e: {  	[sflag:s26] =	ssyncset.done $0x0  }
0x4f: {  	[sflag:s26] =	ssyncadd.s32 $0xFFFFE000  }
0x50: {  	_ =	swait.ge [sflag:s26], $0x2000  }
0x51: {  	[sflag:s26] =	ssyncset.done $0x0  }
0x52: {  	[sflag:s26] =	ssyncadd.s32 $0xFFFFE000  }
0x53: {  	[hbm4b:s9+s2] =	stream.linear.scatter [tilespmem:s20], [sflag:$0x3], $0xA000, $0x38;
	[tilespmem:$0x15900] =	vst v63  }
0x54: {  	s28 =	simm.s32 $0x2800;
	s14 =	sadd.s32 $0x2800, s9;
	_ =	swait.ge [sflag:s10], $0xA000  }
0x55: {  	s16 =	sadd.s32 $0x2800, s8;
	s18 =	simm.s32 $0x500;
	[sflag:s10] =	ssyncset.done $0x0  }
.LBB2_2:
0x56: {  	s31 =	sadd.s32 $0x280, s18  }
0x57: {  	[sflag:s10] =	ssyncadd.s32 $0xFFFF6000;
	s29 =	smov.u32 s28;
	s30 =	sadd.s32 $0x1400, s28  }
0x58: {  	[tilespmem:s20], [sflag:$0x2] =	stream.indirect.gather [hbm4b:s3+s11], $0x40, s31, s11, $0xb8;
	[tilespmem:$0x15900] =	vst v63  }
0x59: {  	p0 =	sne.s32 s28, $0x3C00;
	s28 =	sadd.s32 $0x300, s18  }
0x5a: {  	[tilespmem:s21], [sflag:$0x2] =	stream.indirect.gather [hbm4b:s3+s11], $0x40, s28, s11, $0xb8;
	[tilespmem:$0x15900] =	vst v63  }
0x5b: {  	s28 =	sadd.s32 $0x380, s18  }
0x5c: {  	[tilespmem:s22], [sflag:$0x2] =	stream.indirect.gather [hbm4b:s3+s11], $0x40, s28, s11, $0xb8;
	[tilespmem:$0x15900] =	vst v63  }
0x5d: {  	s28 =	sadd.s32 $0x400, s18  }
0x5e: {  	[tilespmem:s23], [sflag:$0x2] =	stream.indirect.gather [hbm4b:s3+s11], $0x40, s28, s11, $0xb8;
	[tilespmem:$0x15900] =	vst v63  }
0x5f: {  	s28 =	sadd.s32 $0x480, s18  }
0x60: {  	[tilespmem:s24], [sflag:$0x2] =	stream.indirect.gather [hbm4b:s3+s11], $0x40, s28, s11, $0xb8;
	[tilespmem:$0x15900] =	vst v63  }
0x61: {  	_ =	swait.ge [sflag:s25], $0x2000  }
0x62: {  	[sflag:s25] =	ssyncset.done $0x0  }
0x63: {  	[sflag:s25] =	ssyncadd.s32 $0xFFFFE000  }
0x64: {  	_ =	swait.ge [sflag:s25], $0x2000  }
0x65: {  	[sflag:s25] =	ssyncset.done $0x0  }
0x66: {  	[sflag:s25] =	ssyncadd.s32 $0xFFFFE000  }
0x67: {  	_ =	swait.ge [sflag:s25], $0x2000  }
0x68: {  	[sflag:s25] =	ssyncset.done $0x0  }
0x69: {  	[sflag:s25] =	ssyncadd.s32 $0xFFFFE000  }
0x6a: {  	_ =	swait.ge [sflag:s25], $0x2000  }
0x6b: {  	[sflag:s25] =	ssyncset.done $0x0  }
0x6c: {  	[sflag:s25] =	ssyncadd.s32 $0xFFFFE000  }
0x6d: {  	_ =	swait.ge [sflag:s25], $0x2000  }
0x6e: {  	[sflag:s25] =	ssyncset.done $0x0  }
0x6f: {  	[sflag:s25] =	ssyncadd.s32 $0xFFFFE000  }
0x70: {  	[hbm4b:s16+s2] =	stream.linear.scatter [tilespmem:s12], [sflag:$0x3], $0xA000, $0x38;
	[tilespmem:$0x15900] =	vst v63  }
0x71: {  	_ =	swait.ge [sflag:s10], $0xA000  }
0x72: {  	[sflag:s10] =	ssyncset.done $0x0  }
0x73: {  	s28 =	sadd.s32 $0x500, s18;
	[sflag:s10] =	ssyncadd.s32 $0xFFFF6000  }
0x74: {  	[tilespmem:s12], [sflag:$0x1] =	stream.indirect.gather [hbm4b:s3+s11], $0x40, s28, s11, $0xb8;
	[tilespmem:$0x15900] =	vst v63  }
0x75: {  	s28 =	sadd.s32 $0x580, s18  }
0x76: {  	[tilespmem:s13], [sflag:$0x1] =	stream.indirect.gather [hbm4b:s3+s11], $0x40, s28, s11, $0xb8;
	[tilespmem:$0x15900] =	vst v63  }
0x77: {  	s28 =	sadd.s32 $0x600, s18  }
0x78: {  	[tilespmem:s15], [sflag:$0x1] =	stream.indirect.gather [hbm4b:s3+s11], $0x40, s28, s11, $0xb8;
	[tilespmem:$0x15900] =	vst v63  }
0x79: {  	s28 =	sadd.s32 $0x680, s18  }
0x7a: {  	[tilespmem:s17], [sflag:$0x1] =	stream.indirect.gather [hbm4b:s3+s11], $0x40, s28, s11, $0xb8;
	[tilespmem:$0x15900] =	vst v63  }
0x7b: {  	s18 =	sadd.s32 $0x700, s18  }
0x7c: {  	[tilespmem:s19], [sflag:$0x1] =	stream.indirect.gather [hbm4b:s3+s11], $0x40, s18, s11, $0xb8;
	[tilespmem:$0x15900] =	vst v63  }
0x7d: {  	_ =	swait.ge [sflag:s26], $0x2000  }
0x7e: {  	[sflag:s26] =	ssyncset.done $0x0  }
0x7f: {  	[sflag:s26] =	ssyncadd.s32 $0xFFFFE000  }
0x80: {  	_ =	swait.ge [sflag:s26], $0x2000  }
0x81: {  	[sflag:s26] =	ssyncset.done $0x0  }
0x82: {  	[sflag:s26] =	ssyncadd.s32 $0xFFFFE000  }
0x83: {  	_ =	swait.ge [sflag:s26], $0x2000  }
0x84: {  	[sflag:s26] =	ssyncset.done $0x0  }
0x85: {  	[sflag:s26] =	ssyncadd.s32 $0xFFFFE000  }
0x86: {  	_ =	swait.ge [sflag:s26], $0x2000  }
0x87: {  	[sflag:s26] =	ssyncset.done $0x0  }
0x88: {  	[sflag:s26] =	ssyncadd.s32 $0xFFFFE000  }
0x89: {  	_ =	swait.ge [sflag:s26], $0x2000  }
.Ltmp0:
0x8a: {  	[sflag:s26] =	ssyncset.done $0x0;
	(pc) =	sbr.rel @p0 .LBB2_2-.Ltmp0, $4  }
0x8b: {  	[sflag:s26] =	ssyncadd.s32 $0xFFFFE000  }
0x8c: {  	[hbm4b:s14+s2] =	stream.linear.scatter [tilespmem:s20], [sflag:$0x3], $0xA000, $0x38;
	[tilespmem:$0x15900] =	vst v63  }
0x8d: {  	s16 =	sadd.s32 $0x2800, s16;
	s14 =	sadd.s32 $0x2800, s14;
	_ =	swait.ge [sflag:s10], $0xA000  }
0x8e: {  	s28 =	smov.u32 s30;
	s18 =	sshra.s32 s29, $0x2;
	[sflag:s10] =	ssyncset.done $0x0  }
0x8f: {  	s28 =	sadd.s32 $0x280, s18;
	[sflag:s10] =	ssyncadd.s32 $0xFFFF6000  }
0x90: {  	[tilespmem:s20], [sflag:$0x2] =	stream.indirect.gather [hbm4b:s3+s11], $0x40, s28, s11, $0xb8;
	[tilespmem:$0x15900] =	vst v63  }
0x91: {  	s31 =	sadd.s32 $0x300, s18  }
0x92: {  	[tilespmem:s21], [sflag:$0x2] =	stream.indirect.gather [hbm4b:s3+s11], $0x40, s31, s11, $0xb8;
	[tilespmem:$0x15900] =	vst v63  }
0x93: {  	s29 =	sadd.s32 $0x380, s18  }
0x94: {  	[tilespmem:s22], [sflag:$0x2] =	stream.indirect.gather [hbm4b:s3+s11], $0x40, s29, s11, $0xb8;
	[tilespmem:$0x15900] =	vst v63  }
0x95: {  	s30 =	sadd.s32 $0x400, s18  }
0x96: {  	[tilespmem:s23], [sflag:$0x2] =	stream.indirect.gather [hbm4b:s3+s11], $0x40, s30, s11, $0xb8;
	[tilespmem:$0x15900] =	vst v63  }
0x97: {  	s31 =	sadd.s32 $0x480, s18  }
0x98: {  	[tilespmem:s24], [sflag:$0x2] =	stream.indirect.gather [hbm4b:s3+s11], $0x40, s31, s11, $0xb8;
	[tilespmem:$0x15900] =	vst v63  }
0x99: {  	_ =	swait.ge [sflag:s25], $0x2000  }
0x9a: {  	[sflag:s25] =	ssyncset.done $0x0  }
0x9b: {  	[sflag:s25] =	ssyncadd.s32 $0xFFFFE000  }
0x9c: {  	_ =	swait.ge [sflag:s25], $0x2000  }
0x9d: {  	[sflag:s25] =	ssyncset.done $0x0  }
0x9e: {  	[sflag:s25] =	ssyncadd.s32 $0xFFFFE000  }
0x9f: {  	_ =	swait.ge [sflag:s25], $0x2000  }
0xa0: {  	[sflag:s25] =	ssyncset.done $0x0  }
0xa1: {  	[sflag:s25] =	ssyncadd.s32 $0xFFFFE000  }
0xa2: {  	_ =	swait.ge [sflag:s25], $0x2000  }
0xa3: {  	[sflag:s25] =	ssyncset.done $0x0  }
0xa4: {  	[sflag:s25] =	ssyncadd.s32 $0xFFFFE000  }
0xa5: {  	_ =	swait.ge [sflag:s25], $0x2000  }
0xa6: {  	[sflag:s25] =	ssyncset.done $0x0  }
0xa7: {  	[sflag:s25] =	ssyncadd.s32 $0xFFFFE000  }
0xa8: {  	[hbm4b:s16+s2] =	stream.linear.scatter [tilespmem:s12], [sflag:$0x3], $0xA000, $0x38;
	[tilespmem:$0x15900] =	vst v63  }
0xa9: {  	_ =	swait.ge [sflag:s10], $0xA000  }
0xaa: {  	[sflag:s10] =	ssyncset.done $0x0  }
0xab: {  	s28 =	sadd.s32 $0x500, s18;
	[sflag:s10] =	ssyncadd.s32 $0xFFFF6000  }
0xac: {  	[tilespmem:s12], [sflag:$0x1] =	stream.indirect.gather [hbm4b:s3+s11], $0x40, s28, s11, $0xb8;
	[tilespmem:$0x15900] =	vst v63  }
0xad: {  	s29 =	sadd.s32 $0x580, s18  }
0xae: {  	[tilespmem:s13], [sflag:$0x1] =	stream.indirect.gather [hbm4b:s3+s11], $0x40, s29, s11, $0xb8;
	[tilespmem:$0x15900] =	vst v63  }
0xaf: {  	s30 =	sadd.s32 $0x600, s18  }
0xb0: {  	[tilespmem:s15], [sflag:$0x1] =	stream.indirect.gather [hbm4b:s3+s11], $0x40, s30, s11, $0xb8;
	[tilespmem:$0x15900] =	vst v63  }
0xb1: {  	s31 =	sadd.s32 $0x680, s18  }
0xb2: {  	[tilespmem:s17], [sflag:$0x1] =	stream.indirect.gather [hbm4b:s3+s11], $0x40, s31, s11, $0xb8;
	[tilespmem:$0x15900] =	vst v63  }
0xb3: {  	s18 =	sadd.s32 $0x700, s18  }
0xb4: {  	[tilespmem:s19], [sflag:$0x1] =	stream.indirect.gather [hbm4b:s3+s11], $0x40, s18, s11, $0xb8;
	[tilespmem:$0x15900] =	vst v63  }
0xb5: {  	_ =	swait.ge [sflag:s26], $0x2000  }
0xb6: {  	[sflag:s26] =	ssyncset.done $0x0  }
0xb7: {  	[sflag:s26] =	ssyncadd.s32 $0xFFFFE000  }
0xb8: {  	_ =	swait.ge [sflag:s26], $0x2000  }
0xb9: {  	[sflag:s26] =	ssyncset.done $0x0  }
0xba: {  	[sflag:s26] =	ssyncadd.s32 $0xFFFFE000  }
0xbb: {  	_ =	swait.ge [sflag:s26], $0x2000  }
0xbc: {  	[sflag:s26] =	ssyncset.done $0x0  }
0xbd: {  	[sflag:s26] =	ssyncadd.s32 $0xFFFFE000  }
0xbe: {  	_ =	swait.ge [sflag:s26], $0x2000  }
0xbf: {  	[sflag:s26] =	ssyncset.done $0x0  }
0xc0: {  	[sflag:s26] =	ssyncadd.s32 $0xFFFFE000  }
0xc1: {  	_ =	swait.ge [sflag:s26], $0x2000  }
0xc2: {  	[sflag:s26] =	ssyncset.done $0x0  }
0xc3: {  	[sflag:s26] =	ssyncadd.s32 $0xFFFFE000  }
0xc4: {  	[hbm4b:s14+s2] =	stream.linear.scatter [tilespmem:s20], [sflag:$0x3], $0xA000, $0x38;
	[tilespmem:$0x15900] =	vst v63  }
0xc5: {  	_ =	swait.ge [sflag:s10], $0xA000  }
0xc6: {  	[sflag:s10] =	ssyncset.done $0x0  }
0xc7: {  	s28 =	simm.s32 $0x1680;
	[sflag:s10] =	ssyncadd.s32 $0xFFFF6000  }
0xc8: {  	[tilespmem:s20], [sflag:$0x2] =	stream.indirect.gather [hbm4b:s3+s11], $0x40, s28, s11, $0xb8;
	[tilespmem:$0x15900] =	vst v63  }
0xc9: {  	s29 =	simm.s32 $0x1700  }
0xca: {  	[tilespmem:s21], [sflag:$0x2] =	stream.indirect.gather [hbm4b:s3+s11], $0x40, s29, s11, $0xb8;
	[tilespmem:$0x15900] =	vst v63  }
0xcb: {  	s30 =	simm.s32 $0x1780  }
0xcc: {  	[tilespmem:s22], [sflag:$0x2] =	stream.indirect.gather [hbm4b:s3+s11], $0x40, s30, s11, $0xb8;
	[tilespmem:$0x15900] =	vst v63  }
0xcd: {  	s31 =	simm.s32 $0x1800  }
0xce: {  	[tilespmem:s23], [sflag:$0x2] =	stream.indirect.gather [hbm4b:s3+s11], $0x40, s31, s11, $0xb8;
	[tilespmem:$0x15900] =	vst v63  }
0xcf: {  	_ = 	snop  }
0xd0: {  	[tilespmem:s24], [sflag:$0x2] =	stream.indirect.gather [hbm4b:s3+s11], $0x40, s1, s11, $0xb8;
	[tilespmem:$0x15900] =	vst v63  }
0xd1: {  	_ =	swait.ge [sflag:s25], $0x2000  }
0xd2: {  	[sflag:s25] =	ssyncset.done $0x0  }
0xd3: {  	[sflag:s25] =	ssyncadd.s32 $0xFFFFE000  }
0xd4: {  	_ =	swait.ge [sflag:s25], $0x2000  }
0xd5: {  	[sflag:s25] =	ssyncset.done $0x0  }
0xd6: {  	[sflag:s25] =	ssyncadd.s32 $0xFFFFE000  }
0xd7: {  	_ =	swait.ge [sflag:s25], $0x2000  }
0xd8: {  	[sflag:s25] =	ssyncset.done $0x0  }
0xd9: {  	[sflag:s25] =	ssyncadd.s32 $0xFFFFE000  }
0xda: {  	_ =	swait.ge [sflag:s25], $0x2000  }
0xdb: {  	[sflag:s25] =	ssyncset.done $0x0  }
0xdc: {  	[sflag:s25] =	ssyncadd.s32 $0xFFFFE000  }
0xdd: {  	_ =	swait.ge [sflag:s25], $0x2000  }
0xde: {  	[sflag:s25] =	ssyncset.done $0x0  }
0xdf: {  	[sflag:s25] =	ssyncadd.s32 $0xFFFFE000  }
0xe0: {  	[hbm4b:s6+s2] =	stream.linear.scatter [tilespmem:s12], [sflag:$0x3], $0xA000, $0x38;
	[tilespmem:$0x15900] =	vst v63  }
0xe1: {  	_ =	swait.ge [sflag:s10], $0xA000  }
0xe2: {  	[sflag:s10] =	ssyncset.done $0x0  }
0xe3: {  	[sflag:s10] =	ssyncadd.s32 $0xFFFF6000  }
0xe4: {  	_ =	swait.ge [sflag:s26], $0x2000  }
0xe5: {  	[sflag:s26] =	ssyncset.done $0x0  }
0xe6: {  	[sflag:s26] =	ssyncadd.s32 $0xFFFFE000  }
0xe7: {  	_ =	swait.ge [sflag:s26], $0x2000  }
0xe8: {  	[sflag:s26] =	ssyncset.done $0x0  }
0xe9: {  	[sflag:s26] =	ssyncadd.s32 $0xFFFFE000  }
0xea: {  	_ =	swait.ge [sflag:s26], $0x2000  }
0xeb: {  	[sflag:s26] =	ssyncset.done $0x0  }
0xec: {  	[sflag:s26] =	ssyncadd.s32 $0xFFFFE000  }
0xed: {  	_ =	swait.ge [sflag:s26], $0x2000  }
0xee: {  	[sflag:s26] =	ssyncset.done $0x0  }
0xef: {  	[sflag:s26] =	ssyncadd.s32 $0xFFFFE000  }
0xf0: {  	s0 =	sadd.s32 $0x1, s0;
	_ =	swait.ge [sflag:s26], $0x2000  }
0xf1: {  	p0 =	sne.s32 s0, s5;
	[sflag:s26] =	ssyncset.done $0x0  }
.Ltmp1:
0xf2: {  	[sflag:s26] =	ssyncadd.s32 $0xFFFFE000;
	(pc) =	sbr.rel @p0 .LBB2_1-.Ltmp1, $4  }
0xf3: {  	[hbm4b:s7+s2] =	stream.linear.scatter [tilespmem:s20], [sflag:$0x3], $0xA000, $0x38;
	[tilespmem:$0x15900] =	vst v63  }
0xf4: {  	_ =	swait.ge [sflag:s10], $0xA000  }
0xf5: {  	[sflag:s10] =	ssyncset.done $0x0  }
0xf6: {  	[sflag:s10] =	ssyncadd.s32 $0xFFFF6000  }
0xf7: {  	_ =	sfence.sel $0x180000  }
0xf8: {  	[bflag:$0x0] =	sbarrier.arrive $0xFFFF  }
0xf9: {  	_ =	strace $0x90000047  }
0xfa: {  	s0 =	stileid.u32;
	[bflag:$0x2] =	sbarrier.arrive $0xFFFF  }
0xfb: {  	p0 =	sne.s32 s0, $0x0;
	s0 =	rddreg [dreg:$0x2]  }
0xfc: {  	s0 =	sadd.s32 @!p0 $0x100000, s0  }
0xfd: {  	[sflag:s0] =	ssyncadd.tile.s32 @!p0 $0x1;
	_ =	shalt  }
.Lfunc_end2:
_tile_overlayer_lowered:
.L_overlay_start_2:
0xfe: {  	(tag) =	ssettag $0x2  }
0xff: {  	s0 =	rddreg [dreg:$0x0];
	s2 =	stileid.u32  }
0x100: {  	s1 =	rddreg [dreg:$0x1];
	p0 =	sne.s32 s2, $0x0  }
0x101: {  	s3 =	rddreg [dreg:$0x2];
	[bflag:$0x3] =	sbarrier.arrive $0xFFFF;
	s2 =	simm.s32 @!p0 $0x1C03  }
0x102: {  	[timem:s3], [sflag:s2] =	dma.local @!p0 [hbm:s0], s1  }
0x103: {  	s0 =	simm.s32 @!p0 $0x3  }
0x104: {  	_ =	swait.ge @!p0 [sflag:s0], s1  }
0x105: {  	s1 =	ssub.s32 @!p0 $0x0, s1;
	[sflag:s0] =	ssyncset.done @!p0 $0x0  }
0x106: {  	[sflag:s0] =	ssyncadd.s32 @!p0 s1  }
0x107: {  	[bflag:$0x3] =	sbarrier.arrive $0xFFFF  }
0x108: {  	_ =	shalt  }

// kernel: sparse-core-data-format-call.cloned.1.call-start
scs
called_computation_lowered:
.L_overlay_start_0:
0x0: {  	s2 =	sld [smem:$0x3FD9]  }
0x1: {  	s3 =	sld [smem:$0x3FFE];
	_ =	sdelay $0x1  }
0x2: {  	s1 =	srdreg.scid  }
0x3: {  	s0 =	sand.u32 $0x1, s1  }
0x4: {  	s18 =	sshll.u32 s0, $0xA;
	s2 =	sadd.s32 s3, s2  }
0x5: {  	s2 =	sadd.s32 s2, s18  }
0x6: {  	[smem:$0x3FC6] =	sst s2  }
0x7: {  	_ = 	snop  }
0x8: {  	s2 =	sld [smem:$0x3FD0];
	(tm) =	ssettm $0x1  }
0x9: {  	s19 =	sld [smem:$0x3FFB];
	_ =	sdelay $0x3  }
0xa: {  	_ =	strace s19  }
0xb: {  	s3 =	sld [smem:$0x3FFC];
	_ =	sdelay $0x3  }
0xc: {  	_ =	strace s3  }
0xd: {  	s3 =	sld [smem:$0x3FFD];
	_ =	sdelay $0x3  }
0xe: {  	_ =	strace s3  }
0xf: {  	_ =	strace $0x8FFFFFFF  }
0x10: {  	s20 =	sld [smem:$0x3FDB];
	_ =	sdelay $0x1  }
0x11: {  	s4 =	simm.s32 $_scs_section_size  }
0x12: {  	s5 =	simm.s32 $_size__tile_overlayer_lowered;
	s6 =	simm.s32 $_tile_overlayer_lowered  }
0x13: {  	s23 =	simm.s32 $0x1BFF;
	s22 =	sshll.u32 s6, $0x1;
	s3 =	sadd.s32 s4, s20  }
0x14: {  	s7 =	simm.s32 $0x0;
	s21 =	sshll.u32 s5, $0x1;
	s5 =	sadd.s32 s22, s3  }
0x15: {  	[timem:s7], [sflag:s23] =	dma.local [hbm:s5], s21  }
0x16: {  	_ =	swait.ge [sflag:s23], s21  }
0x17: {  	s4 =	ssub.s32 $0x0, s21;
	[sflag:s23] =	ssyncset.done $0x0  }
0x18: {  	[sflag:s23] =	ssyncadd.s32 s4;
	_ =	sdelay $0x1  }
0x19: {  	s24 =	simm.s32 $0x1B8B  }
0x1a: {  	_ =	swait.ge [sflag:s24], $0x1  }
0x1b: {  	[sflag:s24] =	ssyncset.done $0x0  }
0x1c: {  	s26 =	simm.s32 $0x1B8E;
	s25 =	sld [smem:$0x3FFE];
	[sflag:s24] =	ssyncadd.s32 $0xFFFFFFFF  }
0x1d: {  	s27 =	simm.s32 $execute0_lowered;
	[smem:$0x3FD2] =	sst s26  }
0x1e: {  	s5 =	sshll.u32 s27, $0x1;
	_ =	strace $0x80000049;
	[dreg:$0x1] =	wrdreg $0xFFFFFFFF  }
0x1f: {  	s28 =	simm.s32 $_size_execute0_lowered;
	s3 =	sadd.s32 s3, s5;
	[dreg:$0x0] =	wrdreg $0x0  }
0x20: {  	s5 =	sshll.u32 s28, $0x1;
	[dreg:$0x2] =	wrdreg s3  }
0x21: {  	[dreg:$0x3] =	wrdreg s5  }
0x22: {  	[dreg:$0x4] =	wrdreg $0xC0  }
0x23: {  	_ =	task [dreg:s7], $0x5FFFF  }
0x24: {  	[dreg:$0x1] =	wrdreg $0xFFFFFFFF  }
0x25: {  	[dreg:$0x0] =	wrdreg $0x60  }
0x26: {  	[dreg:$0x2] =	wrdreg s25  }
0x27: {  	[dreg:$0x3] =	wrdreg s2  }
0x28: {  	[dreg:$0x4] =	wrdreg $0x9  }
0x29: {  	_ =	task.clear_ibuf [dreg:s7], $0x5FFFF;
	_ =	strace $0x90000049  }
0x2a: {  	s29 =	simm.s32 $0x9;
	_ =	strace $0x8000004B  }
0x2b: {  	_ =	swait.ge [sflag:s29], $0x1  }
0x2c: {  	[sflag:s29] =	ssyncadd.s32 $0xFFFFFFFF  }
0x2d: {  	_ =	strace $0x9000004B  }
0x2e: {  	_ =	sfence  }
0x2f: {  	s30 =	sld [smem:$0x0];
	_ =	sdelay $0x2  }
0x30: {  	s31 =	sshll.u32 s1, $0xD;
	s1 =	sshrl.u32 s1, $0x2  }
0x31: {  	s3 =	sand.u32 $0x4000, s31;
	s1 =	sadd.s32 s1, s30  }
0x32: {  	s0 =	sor.u32 s3, s0;
	s1 =	sshll.u32 s1, $0x11  }
0x33: {  	s0 =	sor.u32 s1, s0  }
0x34: {  	s0 =	sadd.s32 $0x8F2B, s0  }
0x35: {  	[sflag:s0] =	ssyncadd.remote.s32 $0x1  }
0x36: {  	_ =	sfence.sel $0xFFFF  }
0x37: {  	[dreg:$0x0] =	wrdreg $0xFFFFFFFF;
	(pc) =	sbr.abs _section_cstart, $3  }
0x38: {  	[dreg:$0x1] =	wrdreg $0xFFFFFFFF  }
0x39: {  	_ =	task.clear_ibuf [dreg:s7], $0x2FFFF;
	_ =	strace $0x9FFFFFFF  }
0x3a: {  	(tm) =	ssettm $0x7FFFFFFF  }
0x3b: {  	_ =	shalt  }
tec
execute0_lowered:
.L_overlay_start_1:
0x0: {  	(tag) =	ssettag $0x1  }
0x1: {  	s4 =	rddreg [dreg:$0x0]  }
0x2: {  	s2 =	rddreg [dreg:$0x1]  }
0x3: {  	s0 =	rddreg [dreg:$0x2];
	_ =	strace $0x8000004A  }
0x4: {  	s3 =	srdreg.scid;
	s1 =	stileid.u32;
	s6 =	simm.s32 $0x2  }
.Ltmp0:
0x5: {  	p0 =	por $0x0, $0x0;
	s10 =	simm.s32 $0x0;
	(pc) =	sbr.rel .LBB1_1-.Ltmp0, $4  }
0x6: {  	s11 =	simm.s32 $0x0;
	s8 =	simm.s32 $0x0;
	s5 =	sshll.u32 s3, $0x4  }
0x7: {  	s7 =	simm.s32 $0x0;
	s3 =	simm.s32 $0x1;
	s5 =	sand.u32 $0x10, s5  }
0x8: {  	s4 =	sadd.s32 $0x800, s4;
	[sflag:s3] =	ssyncpa.u1 $0x0;
	s5 =	sor.u32 s1, s5  }
0x9: {  	[sflag:s6] =	ssyncpa.u1 $0x0;
	s6 =	simm.s32 $0x0;
	s9 =	smov.u32 s5  }
.LBB1_7:
0xa: {  	s12 =	sadd.s32 $0x2, s8  }
0xb: {  	s10 =	sadd.s32 $0x20, s9;
	s14 =	smov.u32 s9;
	p2 =	sgt.s32 s12, $0x31  }
0xc: {  	p1 =	slt.u32 s7, $0x2;
	s14 =	smov.u32 @p2 s10  }
0xd: {  	s7 =	sadd.s32 $0x1, s7;
	s12 =	simm.s32 @p2 $0x0;
	p2 =	sgt.s32 s14, $0x1F  }
0xe: {  	s14 =	smov.u32 @p2 s5;
	p2 =	sne.s32 s7, $0x1B  }
.Ltmp1:
0xf: {  	_ = 	snop;
	(pc) =	sbr.rel @!p2 .LBB1_8-.Ltmp1, $4  }
0x10: {  	s13 =	simm.s32 @!p1 $0x2  }
0x11: {  	s11 =	smov.u32 s9;
	_ =	swait.ge @!p1 [sflag:s13], $0x4000  }
0x12: {  	p0 =	por !p0, !p0;
	s10 =	smov.u32 s8;
	[sflag:s13] =	ssyncset.done @!p1 $0x0  }
0x13: {  	s8 =	smov.u32 s12;
	[sflag:s13] =	ssyncadd.s32 @!p1 $0xFFFFC000;
	s9 =	smov.u32 s14  }
.LBB1_1:
0x14: {  	p1 =	sgt.u32 s7, $0x18  }
0x15: {  	s13 =	smul.u32 @!p1 $0x19000, s9  }
0x16: {  	s12 =	sxor.u32 @!p1 $0xFFFFFFFF, s7;
	s14 =	sshll.u32 @!p1 s8, $0xB  }
0x17: {  	s15 =	simm.s32 @!p1 $0x80;
	s12 =	sshll.u32 @!p1 s12, $0xE;
	s13 =	sadd.s32 @!p1 s4, s13  }
0x18: {  	s12 =	sand.u32 @!p1 $0x4000, s12;
	s13 =	sadd.s32 @!p1 s14, s13;
	s14 =	simm.s32 @!p1 $0x40  }
0x19: {  	[tilespmem:s12], [sflag:$0x1] =	stream.strided.gather @!p1 [hbm4b:s13+s14], $0x4000, s15, s14, $0x38;
	[tilespmem:$0x10100] =	vst v63  }
0x1a: {  	p1 =	seq.s32 s7, $0x0  }
0x1b: {  	p2 =	seq.s32 @!p1 s7, $0x1A  }
0x1c: {  	p1 =	por p1, p2  }
.Ltmp2:
0x1d: {  	_ = 	snop;
	(pc) =	sbr.rel @p1 .LBB1_7-.Ltmp2, $1  }
0x1e: {  	_ =	sdelay $0x3  }
0x1f: {  	s12 =	simm.s32 $0x1;
	s14 =	sand.u32 $0x1, s7  }
0x20: {  	_ =	swait.ge [sflag:s3], $0x4000;
	s12 =	simm.s32 @!p0 $0x0;
	s14 =	smul.u32 $0x10200, s14  }
0x21: {  	p2 =	por $0x1, $0x1;
	[sflag:s3] =	ssyncset.done $0x0;
	s13 =	smul.u32 $0x10200, s12  }
0x22: {  	s15 =	sshll.u32 s12, $0x10;
	[sflag:s3] =	ssyncadd.s32 $0xFFFFC000;
	s30 =	sshrl.u32 s14, $0x2  }
0x23: {  	s31 =	sshrl.u32 s15, $0x2;
	s15 =	simm.s32 $0x0;
	s13 =	sshrl.u32 s13, $0x2  }
0x24: {  	s12 =	sor.u32 $0x8000, s30;
	s14 =	sadd.s32 $0x20, s31;
	s13 =	sor.u32 $0x8000, s13  }
.LBB1_3:
0x25: {  	s16 =	sshll.u32 s15, $0xD  }
0x26: {  	s16 =	sand.u32 $0x3FFFE000, s16  }
0x27: {  	s18 =	sadd.s32 s16, s14  }
0x28: {  	s31 =	smul.u32 $0x8100, s15;
	v3 =	vld [tilespmem:s18+$0x10]  }
0x29: {  	v1 =	vld [tilespmem:s18+$0xFFFFFFF0]  }
0x2a: {  	s15 =	sshra.s32 s31, $0x2;
	v0 =	vld [tilespmem:s18+$0x0]  }
0x2b: {  	s15 =	sadd.s32 s15, s13;
	v2 =	vld [tilespmem:s18+$0xFFFFFFE0]  }
0x2c: {  	s16 =	sadd.s32 $0x0, s15  }
0x2d: {  	p1 =	por p2, p2;
	s17 =	simm.s32 $0x4;
	s18 =	sadd.s32 $0x40, s18;
	[tilespmem:s16+$0x1830 ss:$0x81] =	vst.msk $0xffff, v3  }
.LBB1_4:
0x2e: {  	v3 =	vld [tilespmem:s18+$0x10];
	p2 =	sne.s32 s17, $0x1FC;
	[tilespmem:s16+$0x810 ss:$0x81] =	vst.msk $0xffff, v1;
	s19 =	smov.u32 s17;
	s17 =	sadd.s32 $0x4, s17  }
.Ltmp3:
0x2f: {  	v1 =	vld [tilespmem:s18+$0xFFFFFFF0];
	[tilespmem:s16+$0x1020 ss:$0x81] =	vst.msk $0xffff, v0;
	(pc) =	sbr.rel @p2 .LBB1_4-.Ltmp3, $4  }
0x30: {  	v0 =	vld [tilespmem:s18+$0x0];
	[tilespmem:s16+$0x0 ss:$0x81] =	vst.msk $0xffff, v2  }
0x31: {  	s16 =	sshra.s32 s19, $0x2;
	v2 =	vld [tilespmem:s18+$0xFFFFFFE0]  }
0x32: {  	s16 =	sadd.s32 s16, s15  }
0x33: {  	s18 =	sadd.s32 $0x40, s18;
	[tilespmem:s16+$0x1830 ss:$0x81] =	vst.msk $0xffff, v3  }
.Ltmp4:
0x34: {  	(pc) =	sbr.rel @p1 .LBB1_3-.Ltmp4, $4  }
0x35: {  	_ = 	snop  }
0x36: {  	[tilespmem:s16+$0x810 ss:$0x81] =	vst.msk $0xffff, v1  }
0x37: {  	[tilespmem:s16+$0x1020 ss:$0x81] =	vst.msk $0xffff, v0  }
0x38: {  	s15 =	simm.s32 $0x1;
	p2 =	por $0x0, $0x0;
	[tilespmem:s16+$0x0 ss:$0x81] =	vst.msk $0xffff, v2  }
0x39: {  	s11 =	smul.u32 $0xC800, s11  }
.Ltmp5:
0x3a: {  	_ = 	snop;
	(pc) =	sbr.rel .LBB1_7-.Ltmp5, $4  }
0x3b: {  	_ = 	snop  }
0x3c: {  	s10 =	sshll.u32 s10, $0xA;
	s11 =	sadd.s32 s2, s11  }
0x3d: {  	s10 =	sadd.s32 s10, s11  }
0x3e: {  	[hbm4b:s10+s6] =	stream.linear.scatter [tilespmem:s12], [sflag:$0x2], $0x4000, $0x20;
	[tilespmem:$0x10100] =	vst v63  }
.LBB1_8:
0x3f: {  	_ =	sfence.sel $0x180000  }
0x40: {  	s2 =	simm.s32 $0x1;
	[bflag:$0x0] =	sbarrier.arrive $0xFFFF  }
0x41: {  	s31 =	simm.s32 $0x2;
	[sflag:s2] =	ssyncpa.u1 $0x1  }
0x42: {  	[sflag:s31] =	ssyncpa.u1 $0x1  }
0x43: {  	p0 =	sne.s32 s1, $0x0;
	_ =	strace $0x9000004A  }
0x44: {  	s0 =	sadd.s32 @!p0 $0x100000, s0;
	[bflag:$0x2] =	sbarrier.arrive $0xFFFF  }
0x45: {  	[sflag:s0] =	ssyncadd.tile.s32 @!p0 $0x1;
	_ =	shalt  }
.Lfunc_end1:
_tile_overlayer_lowered:
.L_overlay_start_2:
0x46: {  	(tag) =	ssettag $0x2  }
0x47: {  	s0 =	rddreg [dreg:$0x0];
	s2 =	stileid.u32  }
0x48: {  	s1 =	rddreg [dreg:$0x1];
	p0 =	sne.s32 s2, $0x0  }
0x49: {  	s3 =	rddreg [dreg:$0x2];
	[bflag:$0x3] =	sbarrier.arrive $0xFFFF;
	s2 =	simm.s32 @!p0 $0x1C01  }
0x4a: {  	[timem:s3], [sflag:s2] =	dma.local @!p0 [hbm:s0], s1  }
0x4b: {  	s0 =	simm.s32 @!p0 $0x1  }
0x4c: {  	_ =	swait.ge @!p0 [sflag:s0], s1  }
0x4d: {  	s1 =	ssub.s32 @!p0 $0x0, s1;
	[sflag:s0] =	ssyncset.done @!p0 $0x0  }
0x4e: {  	[sflag:s0] =	ssyncadd.s32 @!p0 s1  }
0x4f: {  	[bflag:$0x3] =	sbarrier.arrive $0xFFFF  }
0x50: {  	_ =	shalt  }

</sc_bundles>
